<compile_context>
chip_gen: v7x
topology: tpu7x:2x2x1
jax: 0.10.2.dev20260603
libtpu: 0.0.44.dev20260713+nightly
codegen_flags: <defaults>
</compile_context>

<pallas_src>
import functools

import jax
import jax.numpy as jnp
from jax import lax
from jax.experimental import pallas as pl
from jax.experimental.pallas import tpu as pltpu
from jax.experimental.pallas import tpu_sc as plsc

NC = 2
NS = 16
L = 16
NW = NC * NS
R = 64
N = 32768
RPW = R // NW
UN = 8
SPC = N // (L * UN)
HALF = SPC // 2


def _lane_shuffle(x, perm):
  dnums = lax.GatherDimensionNumbers(
      offset_dims=(), collapsed_slice_dims=(0,), start_index_map=(0,))
  return lax.gather(
      x, perm[:, None], dnums, slice_sizes=(1,),
      mode=lax.GatherScatterMode.PROMISE_IN_BOUNDS)


def _merge(vma, ia, vmb, ib):
  take_b = (vmb > vma) | ((vmb == vma) & (ib < ia))
  return jnp.where(take_b, vmb, vma), jnp.where(take_b, ib, ia)


def _scan_chunk(buf_v, base, lo, hi, init):

  @plsc.parallel_loop(lo, hi, unroll=4, carry=init)
  def loop(i, carry):
    vms, vss = carry
    b = base + i * (UN * L)
    ib = jnp.full((L,), i, jnp.int32)
    xs = [buf_v[pl.ds(b + k * L, L)] for k in range(UN)]
    cs = [xs[k] > vms[k] for k in range(UN)]
    new_vms = tuple(jnp.where(cs[k], xs[k], vms[k]) for k in range(UN))
    new_vss = tuple(jnp.where(cs[k], ib, vss[k]) for k in range(UN))
    return (new_vms, new_vss)

  return loop


def _finish_row(carry):
  iota = lax.broadcasted_iota(jnp.int32, (L,), 0)
  vms, vss = carry
  pairs = [(vms[k], vss[k] * (UN * L) + (k * L + iota)) for k in range(UN)]
  while len(pairs) > 1:
    nxt = []
    for j in range(0, len(pairs), 2):
      nxt.append(_merge(pairs[j][0], pairs[j][1],
                        pairs[j + 1][0], pairs[j + 1][1]))
    pairs = nxt
  vm, ii = pairs[0]
  for k in (1, 2, 4, 8):
    perm = iota ^ k
    vm2 = _lane_shuffle(vm, perm)
    ii2 = _lane_shuffle(ii, perm)
    vm, ii = _merge(vm, ii, vm2, ii2)
  return ii


@functools.partial(
    pl.kernel,
    out_type=jax.ShapeDtypeStruct((R,), jnp.int32),
    mesh=plsc.VectorSubcoreMesh(
        core_axis_name="c", subcore_axis_name="s",
        num_cores=NC, num_subcores=NS),
    scratch_types=[
        pltpu.VMEM((RPW * N,), jnp.float32),
        pltpu.VMEM((L,), jnp.int32),
        pltpu.VMEM((NS * RPW * L,), jnp.int32),
        pltpu.VMEM((NS * RPW,), jnp.int32),
        pltpu.VMEM_SHARED((NS * RPW * L,), jnp.int32),
        pltpu.SemaphoreType.DMA,
        pltpu.SemaphoreType.DMA,
        pltpu.SemaphoreType.DMA,
        pltpu.SemaphoreType.DMA,
    ],
)
def _argmax_sc(x_hbm, out_hbm, buf_v, res_v, comp_v, outb_v, stage_sh,
               sem0, sem1, sem2, sem3):
  cid = lax.axis_index("c")
  sid = lax.axis_index("s")
  wid = cid * NS + sid
  r0 = wid * RPW

  cps = []
  for r in range(RPW):
    for h in range(2):
      sem = (sem0, sem1, sem2, sem3)[r * 2 + h]
      src = x_hbm.at[r0 + r, pl.ds(h * (N // 2), N // 2)]
      dst = buf_v.at[pl.ds(r * N + h * (N // 2), N // 2)]
      cps.append(pltpu.async_copy(src, dst, sem))

  iota = lax.broadcasted_iota(jnp.int32, (L,), 0)
  neg = jnp.full((L,), -jnp.inf, jnp.float32)
  zero = jnp.zeros((L,), jnp.int32)
  init = ((neg,) * UN, (zero,) * UN)

  for r in range(RPW):
    cps[r * 2].wait()
    carry = _scan_chunk(buf_v, r * N, 0, HALF, init)
    cps[r * 2 + 1].wait()
    carry = _scan_chunk(buf_v, r * N, HALF, SPC, carry)
    res_v[...] = _finish_row(carry)
    pltpu.sync_copy(res_v, stage_sh.at[pl.ds((sid * RPW + r) * L, L)])

  plsc.subcore_barrier()

  @pl.when(sid == 0)
  def _compact():
    pltpu.sync_copy(stage_sh, comp_v)
    for half in range(RPW):
      acc = jnp.zeros((L,), jnp.int32)
      for j in range(L):
        v = comp_v[pl.ds((half * L + j) * L, L)]
        acc = jnp.where(iota == j, v, acc)
      outb_v[pl.ds(half * L, L)] = acc
    pltpu.sync_copy(outb_v, out_hbm.at[pl.ds(cid * (NS * RPW), NS * RPW)])


def kernel(inputs):
  return _argmax_sc(inputs)

# --- scband reference (transcript-rebuilt; emitter-appended) ---
"""Pipeline reference for scband-argmax-5085241278837 (READ-ONLY COPY).

The authoritative reference and input builder live on the scoring server;
editing this copy changes nothing except your own understanding.
"""

import jax, jax.numpy as jnp
import numpy as np

def setup_inputs(seed: int = 0) -> dict:
    key = jax.random.key(seed)
    inputs = jax.random.normal(key, (64, 32768), dtype=jnp.float32)
    return {"inputs": inputs}

def reference(inputs):
    # keras.backend.argmax defaults to axis=-1
    return jnp.argmax(inputs, axis=-1)

if __name__ == "__main__":
    import jax
    _d = setup_inputs()
    print(jax.jit(kernel)(*tuple(_d.values())))

</pallas_src>

<mosaic_0001>
#map = affine_map<(d0, d1) -> (0, 0)>
#map1 = affine_map<(d0, d1) -> (0)>
module attributes {stable_mosaic.version = 14 : i64} {
  func.func @_argmax_sc(%arg0: i32, %arg1: i32, %arg2: memref<64x32768xf32, #tpu.memory_space<hbm>>, %arg3: memref<64xi32, #tpu.memory_space<hbm>>, %arg4: memref<65536xf32, #tpu.memory_space<vmem>>, %arg5: memref<16xi32, #tpu.memory_space<vmem>>, %arg6: memref<512xi32, #tpu.memory_space<vmem>>, %arg7: memref<32xi32, #tpu.memory_space<vmem>>, %arg8: memref<512xi32, #tpu.memory_space<vmem_shared>>, %arg9: memref<!tpu.dma_semaphore, #tpu.memory_space<semaphore_mem>>, %arg10: memref<!tpu.dma_semaphore, #tpu.memory_space<semaphore_mem>>, %arg11: memref<!tpu.dma_semaphore, #tpu.memory_space<semaphore_mem>>, %arg12: memref<!tpu.dma_semaphore, #tpu.memory_space<semaphore_mem>>) attributes {dimension_semantics = [#tpu.dimension_semantics<core_parallel>, #tpu.dimension_semantics<subcore_parallel>], iteration_bounds = array<i64: 2, 16>, scalar_prefetch = 0 : i64, scratch_operands = 9 : i64, tpu.core_type = #tpu.core_type<sc_vector_subcore>, window_params = [{transform_indices = #map}, {transform_indices = #map1}]} {
    %mul3A = arith.constant 16 : i32
    %mul3A_0 = arith.muli %arg0, %mul3A : i32
    %add3A = arith.addi %mul3A_0, %arg1 : i32
    %mul3A_1 = arith.constant 2 : i32
    %mul3A_2 = arith.muli %add3A, %mul3A_1 : i32
    %add3A_3 = arith.constant 0 : i32
    %add3A_4 = arith.addi %mul3A_2, %add3A_3 : i32
    %dma_start3A = arith.constant 0 : i32
    %dma_start3A_5 = tpu.memref_slice %arg4[%dma_start3A] : memref<65536xf32, #tpu.memory_space<vmem>> -> memref<16384xf32, #tpu.memory_space<vmem>>
    %dma_start3A_6 = arith.constant 0 : i32
    %dma_start3A_7 = tpu.memref_slice %arg2[%add3A_4, %dma_start3A_6] : memref<64x32768xf32, #tpu.memory_space<hbm>> -> memref<1x16384xf32, #tpu.memory_space<hbm>>
    %dma_start3A_8 = tpu.memref_squeeze %dma_start3A_7 : memref<1x16384xf32, #tpu.memory_space<hbm>> -> memref<16384xf32, #tpu.memory_space<hbm>>
    %dma_start3A_9 = arith.constant 0 : i32
    %dma_start3A_10 = tpu.memref_slice %arg4[%dma_start3A_9] : memref<65536xf32, #tpu.memory_space<vmem>> -> memref<16384xf32, #tpu.memory_space<vmem>>
    %dma_start3A_11 = arith.constant 0 : i32
    %dma_start3A_12 = tpu.memref_slice %arg2[%add3A_4, %dma_start3A_11] : memref<64x32768xf32, #tpu.memory_space<hbm>> -> memref<1x16384xf32, #tpu.memory_space<hbm>>
    %dma_start3A_13 = tpu.memref_squeeze %dma_start3A_12 : memref<1x16384xf32, #tpu.memory_space<hbm>> -> memref<16384xf32, #tpu.memory_space<hbm>>
    tpu.enqueue_dma source(%dma_start3A_13 : memref<16384xf32, #tpu.memory_space<hbm>>) target(%dma_start3A_10 : memref<16384xf32, #tpu.memory_space<vmem>>) target_semaphore(%arg9 : memref<!tpu.dma_semaphore, #tpu.memory_space<semaphore_mem>>)
    %add3A_14 = arith.constant 0 : i32
    %add3A_15 = arith.addi %mul3A_2, %add3A_14 : i32
    %dma_start3A_16 = arith.constant 16384 : i32
    %dma_start3A_17 = tpu.memref_slice %arg4[%dma_start3A_16] : memref<65536xf32, #tpu.memory_space<vmem>> -> memref<16384xf32, #tpu.memory_space<vmem>>
    %dma_start3A_18 = arith.constant 16384 : i32
    %dma_start3A_19 = tpu.memref_slice %arg2[%add3A_15, %dma_start3A_18] : memref<64x32768xf32, #tpu.memory_space<hbm>> -> memref<1x16384xf32, #tpu.memory_space<hbm>>
    %dma_start3A_20 = tpu.memref_squeeze %dma_start3A_19 : memref<1x16384xf32, #tpu.memory_space<hbm>> -> memref<16384xf32, #tpu.memory_space<hbm>>
    %dma_start3A_21 = arith.constant 16384 : i32
    %dma_start3A_22 = tpu.memref_slice %arg4[%dma_start3A_21] : memref<65536xf32, #tpu.memory_space<vmem>> -> memref<16384xf32, #tpu.memory_space<vmem>>
    %dma_start3A_23 = arith.constant 16384 : i32
    %dma_start3A_24 = tpu.memref_slice %arg2[%add3A_15, %dma_start3A_23] : memref<64x32768xf32, #tpu.memory_space<hbm>> -> memref<1x16384xf32, #tpu.memory_space<hbm>>
    %dma_start3A_25 = tpu.memref_squeeze %dma_start3A_24 : memref<1x16384xf32, #tpu.memory_space<hbm>> -> memref<16384xf32, #tpu.memory_space<hbm>>
    tpu.enqueue_dma source(%dma_start3A_25 : memref<16384xf32, #tpu.memory_space<hbm>>) target(%dma_start3A_22 : memref<16384xf32, #tpu.memory_space<vmem>>) target_semaphore(%arg10 : memref<!tpu.dma_semaphore, #tpu.memory_space<semaphore_mem>>)
    %add3A_26 = arith.constant 1 : i32
    %add3A_27 = arith.addi %mul3A_2, %add3A_26 : i32
    %dma_start3A_28 = arith.constant 32768 : i32
    %dma_start3A_29 = tpu.memref_slice %arg4[%dma_start3A_28] : memref<65536xf32, #tpu.memory_space<vmem>> -> memref<16384xf32, #tpu.memory_space<vmem>>
    %dma_start3A_30 = arith.constant 0 : i32
    %dma_start3A_31 = tpu.memref_slice %arg2[%add3A_27, %dma_start3A_30] : memref<64x32768xf32, #tpu.memory_space<hbm>> -> memref<1x16384xf32, #tpu.memory_space<hbm>>
    %dma_start3A_32 = tpu.memref_squeeze %dma_start3A_31 : memref<1x16384xf32, #tpu.memory_space<hbm>> -> memref<16384xf32, #tpu.memory_space<hbm>>
    %dma_start3A_33 = arith.constant 32768 : i32
    %dma_start3A_34 = tpu.memref_slice %arg4[%dma_start3A_33] : memref<65536xf32, #tpu.memory_space<vmem>> -> memref<16384xf32, #tpu.memory_space<vmem>>
    %dma_start3A_35 = arith.constant 0 : i32
    %dma_start3A_36 = tpu.memref_slice %arg2[%add3A_27, %dma_start3A_35] : memref<64x32768xf32, #tpu.memory_space<hbm>> -> memref<1x16384xf32, #tpu.memory_space<hbm>>
    %dma_start3A_37 = tpu.memref_squeeze %dma_start3A_36 : memref<1x16384xf32, #tpu.memory_space<hbm>> -> memref<16384xf32, #tpu.memory_space<hbm>>
    tpu.enqueue_dma source(%dma_start3A_37 : memref<16384xf32, #tpu.memory_space<hbm>>) target(%dma_start3A_34 : memref<16384xf32, #tpu.memory_space<vmem>>) target_semaphore(%arg11 : memref<!tpu.dma_semaphore, #tpu.memory_space<semaphore_mem>>)
    %add3A_38 = arith.constant 1 : i32
    %add3A_39 = arith.addi %mul3A_2, %add3A_38 : i32
    %dma_start3A_40 = arith.constant 49152 : i32
    %dma_start3A_41 = tpu.memref_slice %arg4[%dma_start3A_40] : memref<65536xf32, #tpu.memory_space<vmem>> -> memref<16384xf32, #tpu.memory_space<vmem>>
    %dma_start3A_42 = arith.constant 16384 : i32
    %dma_start3A_43 = tpu.memref_slice %arg2[%add3A_39, %dma_start3A_42] : memref<64x32768xf32, #tpu.memory_space<hbm>> -> memref<1x16384xf32, #tpu.memory_space<hbm>>
    %dma_start3A_44 = tpu.memref_squeeze %dma_start3A_43 : memref<1x16384xf32, #tpu.memory_space<hbm>> -> memref<16384xf32, #tpu.memory_space<hbm>>
    %dma_start3A_45 = arith.constant 49152 : i32
    %dma_start3A_46 = tpu.memref_slice %arg4[%dma_start3A_45] : memref<65536xf32, #tpu.memory_space<vmem>> -> memref<16384xf32, #tpu.memory_space<vmem>>
    %dma_start3A_47 = arith.constant 16384 : i32
    %dma_start3A_48 = tpu.memref_slice %arg2[%add3A_39, %dma_start3A_47] : memref<64x32768xf32, #tpu.memory_space<hbm>> -> memref<1x16384xf32, #tpu.memory_space<hbm>>
    %dma_start3A_49 = tpu.memref_squeeze %dma_start3A_48 : memref<1x16384xf32, #tpu.memory_space<hbm>> -> memref<16384xf32, #tpu.memory_space<hbm>>
    tpu.enqueue_dma source(%dma_start3A_49 : memref<16384xf32, #tpu.memory_space<hbm>>) target(%dma_start3A_46 : memref<16384xf32, #tpu.memory_space<vmem>>) target_semaphore(%arg12 : memref<!tpu.dma_semaphore, #tpu.memory_space<semaphore_mem>>)
    %iota3A = tpu.iota {dimensions = array<i32: 0>} : vector<16xi32>
    %broadcast_in_dim3A = arith.constant 0xFF800000 : f32
    %broadcast_in_dim3A_50 = vector.broadcast %broadcast_in_dim3A : f32 to vector<16xf32>
    %broadcast_in_dim3A_51 = arith.constant 0 : i32
    %broadcast_in_dim3A_52 = vector.broadcast %broadcast_in_dim3A_51 : i32 to vector<16xi32>
    %dma_wait3A = arith.constant 0 : i32
    %dma_wait3A_53 = tpu.memref_slice %arg4[%dma_wait3A] : memref<65536xf32, #tpu.memory_space<vmem>> -> memref<16384xf32, #tpu.memory_space<vmem>>
    %dma_wait3A_54 = arith.constant 0 : i32
    %dma_wait3A_55 = tpu.memref_slice %arg2[%add3A_4, %dma_wait3A_54] : memref<64x32768xf32, #tpu.memory_space<hbm>> -> memref<1x16384xf32, #tpu.memory_space<hbm>>
    %dma_wait3A_56 = tpu.memref_squeeze %dma_wait3A_55 : memref<1x16384xf32, #tpu.memory_space<hbm>> -> memref<16384xf32, #tpu.memory_space<hbm>>
    %dma_wait3A_57 = arith.constant 0 : i32
    %dma_wait3A_58 = tpu.memref_slice %arg4[%dma_wait3A_57] : memref<65536xf32, #tpu.memory_space<vmem>> -> memref<16384xf32, #tpu.memory_space<vmem>>
    %dma_wait3A_59 = arith.constant 0 : i32
    %dma_wait3A_60 = tpu.memref_slice %arg2[%add3A_4, %dma_wait3A_59] : memref<64x32768xf32, #tpu.memory_space<hbm>> -> memref<1x16384xf32, #tpu.memory_space<hbm>>
    %dma_wait3A_61 = tpu.memref_squeeze %dma_wait3A_60 : memref<1x16384xf32, #tpu.memory_space<hbm>> -> memref<16384xf32, #tpu.memory_space<hbm>>
    tpu.wait_dma2 semaphore(%arg9 : memref<!tpu.dma_semaphore, #tpu.memory_space<semaphore_mem>>) src(%dma_wait3A_61 : memref<16384xf32, #tpu.memory_space<hbm>>) dst(%dma_wait3A_58 : memref<16384xf32, #tpu.memory_space<vmem>>)
    %parallel_loop3A = arith.constant 0 : i32
    %parallel_loop3A_62 = arith.constant 128 : i32
    %parallel_loop3A_63 = arith.constant 1 : i32
    %parallel_loop3A_64:16 = scf.for %parallel_loop3A_461 = %parallel_loop3A to %parallel_loop3A_62 step %parallel_loop3A_63 iter_args(%parallel_loop3A_462 = %broadcast_in_dim3A_50, %parallel_loop3A_463 = %broadcast_in_dim3A_50, %parallel_loop3A_464 = %broadcast_in_dim3A_50, %parallel_loop3A_465 = %broadcast_in_dim3A_50, %parallel_loop3A_466 = %broadcast_in_dim3A_50, %parallel_loop3A_467 = %broadcast_in_dim3A_50, %parallel_loop3A_468 = %broadcast_in_dim3A_50, %parallel_loop3A_469 = %broadcast_in_dim3A_50, %parallel_loop3A_470 = %broadcast_in_dim3A_52, %parallel_loop3A_471 = %broadcast_in_dim3A_52, %parallel_loop3A_472 = %broadcast_in_dim3A_52, %parallel_loop3A_473 = %broadcast_in_dim3A_52, %parallel_loop3A_474 = %broadcast_in_dim3A_52, %parallel_loop3A_475 = %broadcast_in_dim3A_52, %parallel_loop3A_476 = %broadcast_in_dim3A_52, %parallel_loop3A_477 = %broadcast_in_dim3A_52) -> (vector<16xf32>, vector<16xf32>, vector<16xf32>, vector<16xf32>, vector<16xf32>, vector<16xf32>, vector<16xf32>, vector<16xf32>, vector<16xi32>, vector<16xi32>, vector<16xi32>, vector<16xi32>, vector<16xi32>, vector<16xi32>, vector<16xi32>, vector<16xi32>)  : i32 {
      %parallel_loop3A_478 = arith.constant 128 : i32
      %parallel_loop3A_479 = arith.muli %parallel_loop3A_461, %parallel_loop3A_478 : i32
      %parallel_loop3A_480 = arith.constant 0 : i32
      %parallel_loop3A_481 = arith.addi %parallel_loop3A_480, %parallel_loop3A_479 : i32
      %parallel_loop3A_482 = vector.broadcast %parallel_loop3A_461 : i32 to vector<16xi32>
      %parallel_loop3A_483 = arith.constant 0 : i32
      %parallel_loop3A_484 = arith.addi %parallel_loop3A_481, %parallel_loop3A_483 : i32
      %parallel_loop3A_485 = arith.index_cast %parallel_loop3A_484 : i32 to index
      %parallel_loop3A_486 = tpu.vector_load %arg4[%parallel_loop3A_485] {strides = array<i32>} : memref<65536xf32, #tpu.memory_space<vmem>>, vector<16xf32>,
      %parallel_loop3A_487 = vector.shape_cast %parallel_loop3A_486 : vector<16xf32> to vector<16xf32>
      %parallel_loop3A_488 = arith.constant 16 : i32
      %parallel_loop3A_489 = arith.addi %parallel_loop3A_481, %parallel_loop3A_488 : i32
      %parallel_loop3A_490 = arith.index_cast %parallel_loop3A_489 : i32 to index
      %parallel_loop3A_491 = tpu.vector_load %arg4[%parallel_loop3A_490] {strides = array<i32>} : memref<65536xf32, #tpu.memory_space<vmem>>, vector<16xf32>,
      %parallel_loop3A_492 = vector.shape_cast %parallel_loop3A_491 : vector<16xf32> to vector<16xf32>
      %parallel_loop3A_493 = arith.constant 32 : i32
      %parallel_loop3A_494 = arith.addi %parallel_loop3A_481, %parallel_loop3A_493 : i32
      %parallel_loop3A_495 = arith.index_cast %parallel_loop3A_494 : i32 to index
      %parallel_loop3A_496 = tpu.vector_load %arg4[%parallel_loop3A_495] {strides = array<i32>} : memref<65536xf32, #tpu.memory_space<vmem>>, vector<16xf32>,
      %parallel_loop3A_497 = vector.shape_cast %parallel_loop3A_496 : vector<16xf32> to vector<16xf32>
      %parallel_loop3A_498 = arith.constant 48 : i32
      %parallel_loop3A_499 = arith.addi %parallel_loop3A_481, %parallel_loop3A_498 : i32
      %parallel_loop3A_500 = arith.index_cast %parallel_loop3A_499 : i32 to index
      %parallel_loop3A_501 = tpu.vector_load %arg4[%parallel_loop3A_500] {strides = array<i32>} : memref<65536xf32, #tpu.memory_space<vmem>>, vector<16xf32>,
      %parallel_loop3A_502 = vector.shape_cast %parallel_loop3A_501 : vector<16xf32> to vector<16xf32>
      %parallel_loop3A_503 = arith.constant 64 : i32
      %parallel_loop3A_504 = arith.addi %parallel_loop3A_481, %parallel_loop3A_503 : i32
      %parallel_loop3A_505 = arith.index_cast %parallel_loop3A_504 : i32 to index
      %parallel_loop3A_506 = tpu.vector_load %arg4[%parallel_loop3A_505] {strides = array<i32>} : memref<65536xf32, #tpu.memory_space<vmem>>, vector<16xf32>,
      %parallel_loop3A_507 = vector.shape_cast %parallel_loop3A_506 : vector<16xf32> to vector<16xf32>
      %parallel_loop3A_508 = arith.constant 80 : i32
      %parallel_loop3A_509 = arith.addi %parallel_loop3A_481, %parallel_loop3A_508 : i32
      %parallel_loop3A_510 = arith.index_cast %parallel_loop3A_509 : i32 to index
      %parallel_loop3A_511 = tpu.vector_load %arg4[%parallel_loop3A_510] {strides = array<i32>} : memref<65536xf32, #tpu.memory_space<vmem>>, vector<16xf32>,
      %parallel_loop3A_512 = vector.shape_cast %parallel_loop3A_511 : vector<16xf32> to vector<16xf32>
      %parallel_loop3A_513 = arith.constant 96 : i32
      %parallel_loop3A_514 = arith.addi %parallel_loop3A_481, %parallel_loop3A_513 : i32
      %parallel_loop3A_515 = arith.index_cast %parallel_loop3A_514 : i32 to index
      %parallel_loop3A_516 = tpu.vector_load %arg4[%parallel_loop3A_515] {strides = array<i32>} : memref<65536xf32, #tpu.memory_space<vmem>>, vector<16xf32>,
      %parallel_loop3A_517 = vector.shape_cast %parallel_loop3A_516 : vector<16xf32> to vector<16xf32>
      %parallel_loop3A_518 = arith.constant 112 : i32
      %parallel_loop3A_519 = arith.addi %parallel_loop3A_481, %parallel_loop3A_518 : i32
      %parallel_loop3A_520 = arith.index_cast %parallel_loop3A_519 : i32 to index
      %parallel_loop3A_521 = tpu.vector_load %arg4[%parallel_loop3A_520] {strides = array<i32>} : memref<65536xf32, #tpu.memory_space<vmem>>, vector<16xf32>,
      %parallel_loop3A_522 = vector.shape_cast %parallel_loop3A_521 : vector<16xf32> to vector<16xf32>
      %parallel_loop3A_523 = arith.cmpf ogt, %parallel_loop3A_487, %parallel_loop3A_462 : vector<16xf32>
      %parallel_loop3A_524 = arith.cmpf ogt, %parallel_loop3A_492, %parallel_loop3A_463 : vector<16xf32>
      %parallel_loop3A_525 = arith.cmpf ogt, %parallel_loop3A_497, %parallel_loop3A_464 : vector<16xf32>
      %parallel_loop3A_526 = arith.cmpf ogt, %parallel_loop3A_502, %parallel_loop3A_465 : vector<16xf32>
      %parallel_loop3A_527 = arith.cmpf ogt, %parallel_loop3A_507, %parallel_loop3A_466 : vector<16xf32>
      %parallel_loop3A_528 = arith.cmpf ogt, %parallel_loop3A_512, %parallel_loop3A_467 : vector<16xf32>
      %parallel_loop3A_529 = arith.cmpf ogt, %parallel_loop3A_517, %parallel_loop3A_468 : vector<16xf32>
      %parallel_loop3A_530 = arith.cmpf ogt, %parallel_loop3A_522, %parallel_loop3A_469 : vector<16xf32>
      %parallel_loop3A_531 = arith.select %parallel_loop3A_523, %parallel_loop3A_487, %parallel_loop3A_462 : vector<16xi1>, vector<16xf32>
      %parallel_loop3A_532 = arith.select %parallel_loop3A_524, %parallel_loop3A_492, %parallel_loop3A_463 : vector<16xi1>, vector<16xf32>
      %parallel_loop3A_533 = arith.select %parallel_loop3A_525, %parallel_loop3A_497, %parallel_loop3A_464 : vector<16xi1>, vector<16xf32>
      %parallel_loop3A_534 = arith.select %parallel_loop3A_526, %parallel_loop3A_502, %parallel_loop3A_465 : vector<16xi1>, vector<16xf32>
      %parallel_loop3A_535 = arith.select %parallel_loop3A_527, %parallel_loop3A_507, %parallel_loop3A_466 : vector<16xi1>, vector<16xf32>
      %parallel_loop3A_536 = arith.select %parallel_loop3A_528, %parallel_loop3A_512, %parallel_loop3A_467 : vector<16xi1>, vector<16xf32>
      %parallel_loop3A_537 = arith.select %parallel_loop3A_529, %parallel_loop3A_517, %parallel_loop3A_468 : vector<16xi1>, vector<16xf32>
      %parallel_loop3A_538 = arith.select %parallel_loop3A_530, %parallel_loop3A_522, %parallel_loop3A_469 : vector<16xi1>, vector<16xf32>
      %parallel_loop3A_539 = arith.select %parallel_loop3A_523, %parallel_loop3A_482, %parallel_loop3A_470 : vector<16xi1>, vector<16xi32>
      %parallel_loop3A_540 = arith.select %parallel_loop3A_524, %parallel_loop3A_482, %parallel_loop3A_471 : vector<16xi1>, vector<16xi32>
      %parallel_loop3A_541 = arith.select %parallel_loop3A_525, %parallel_loop3A_482, %parallel_loop3A_472 : vector<16xi1>, vector<16xi32>
      %parallel_loop3A_542 = arith.select %parallel_loop3A_526, %parallel_loop3A_482, %parallel_loop3A_473 : vector<16xi1>, vector<16xi32>
      %parallel_loop3A_543 = arith.select %parallel_loop3A_527, %parallel_loop3A_482, %parallel_loop3A_474 : vector<16xi1>, vector<16xi32>
      %parallel_loop3A_544 = arith.select %parallel_loop3A_528, %parallel_loop3A_482, %parallel_loop3A_475 : vector<16xi1>, vector<16xi32>
      %parallel_loop3A_545 = arith.select %parallel_loop3A_529, %parallel_loop3A_482, %parallel_loop3A_476 : vector<16xi1>, vector<16xi32>
      %parallel_loop3A_546 = arith.select %parallel_loop3A_530, %parallel_loop3A_482, %parallel_loop3A_477 : vector<16xi1>, vector<16xi32>
      scf.yield %parallel_loop3A_531, %parallel_loop3A_532, %parallel_loop3A_533, %parallel_loop3A_534, %parallel_loop3A_535, %parallel_loop3A_536, %parallel_loop3A_537, %parallel_loop3A_538, %parallel_loop3A_539, %parallel_loop3A_540, %parallel_loop3A_541, %parallel_loop3A_542, %parallel_loop3A_543, %parallel_loop3A_544, %parallel_loop3A_545, %parallel_loop3A_546 : vector<16xf32>, vector<16xf32>, vector<16xf32>, vector<16xf32>, vector<16xf32>, vector<16xf32>, vector<16xf32>, vector<16xf32>, vector<16xi32>, vector<16xi32>, vector<16xi32>, vector<16xi32>, vector<16xi32>, vector<16xi32>, vector<16xi32>, vector<16xi32>
    } {sc.loop_unroll_factor = 4 : i64, sc.parallel_access}
    %dma_wait3A_65 = arith.constant 16384 : i32
    %dma_wait3A_66 = tpu.memref_slice %arg4[%dma_wait3A_65] : memref<65536xf32, #tpu.memory_space<vmem>> -> memref<16384xf32, #tpu.memory_space<vmem>>
    %dma_wait3A_67 = arith.constant 16384 : i32
    %dma_wait3A_68 = tpu.memref_slice %arg2[%add3A_15, %dma_wait3A_67] : memref<64x32768xf32, #tpu.memory_space<hbm>> -> memref<1x16384xf32, #tpu.memory_space<hbm>>
    %dma_wait3A_69 = tpu.memref_squeeze %dma_wait3A_68 : memref<1x16384xf32, #tpu.memory_space<hbm>> -> memref<16384xf32, #tpu.memory_space<hbm>>
    %dma_wait3A_70 = arith.constant 16384 : i32
    %dma_wait3A_71 = tpu.memref_slice %arg4[%dma_wait3A_70] : memref<65536xf32, #tpu.memory_space<vmem>> -> memref<16384xf32, #tpu.memory_space<vmem>>
    %dma_wait3A_72 = arith.constant 16384 : i32
    %dma_wait3A_73 = tpu.memref_slice %arg2[%add3A_15, %dma_wait3A_72] : memref<64x32768xf32, #tpu.memory_space<hbm>> -> memref<1x16384xf32, #tpu.memory_space<hbm>>
    %dma_wait3A_74 = tpu.memref_squeeze %dma_wait3A_73 : memref<1x16384xf32, #tpu.memory_space<hbm>> -> memref<16384xf32, #tpu.memory_space<hbm>>
    tpu.wait_dma2 semaphore(%arg10 : memref<!tpu.dma_semaphore, #tpu.memory_space<semaphore_mem>>) src(%dma_wait3A_74 : memref<16384xf32, #tpu.memory_space<hbm>>) dst(%dma_wait3A_71 : memref<16384xf32, #tpu.memory_space<vmem>>)
    %parallel_loop3A_75 = arith.constant 128 : i32
    %parallel_loop3A_76 = arith.constant 256 : i32
    %parallel_loop3A_77 = arith.constant 1 : i32
    %parallel_loop3A_78:16 = scf.for %parallel_loop3A_461 = %parallel_loop3A_75 to %parallel_loop3A_76 step %parallel_loop3A_77 iter_args(%parallel_loop3A_462 = %parallel_loop3A_64#0, %parallel_loop3A_463 = %parallel_loop3A_64#1, %parallel_loop3A_464 = %parallel_loop3A_64#2, %parallel_loop3A_465 = %parallel_loop3A_64#3, %parallel_loop3A_466 = %parallel_loop3A_64#4, %parallel_loop3A_467 = %parallel_loop3A_64#5, %parallel_loop3A_468 = %parallel_loop3A_64#6, %parallel_loop3A_469 = %parallel_loop3A_64#7, %parallel_loop3A_470 = %parallel_loop3A_64#8, %parallel_loop3A_471 = %parallel_loop3A_64#9, %parallel_loop3A_472 = %parallel_loop3A_64#10, %parallel_loop3A_473 = %parallel_loop3A_64#11, %parallel_loop3A_474 = %parallel_loop3A_64#12, %parallel_loop3A_475 = %parallel_loop3A_64#13, %parallel_loop3A_476 = %parallel_loop3A_64#14, %parallel_loop3A_477 = %parallel_loop3A_64#15) -> (vector<16xf32>, vector<16xf32>, vector<16xf32>, vector<16xf32>, vector<16xf32>, vector<16xf32>, vector<16xf32>, vector<16xf32>, vector<16xi32>, vector<16xi32>, vector<16xi32>, vector<16xi32>, vector<16xi32>, vector<16xi32>, vector<16xi32>, vector<16xi32>)  : i32 {
      %parallel_loop3A_478 = arith.constant 128 : i32
      %parallel_loop3A_479 = arith.muli %parallel_loop3A_461, %parallel_loop3A_478 : i32
      %parallel_loop3A_480 = arith.constant 0 : i32
      %parallel_loop3A_481 = arith.addi %parallel_loop3A_480, %parallel_loop3A_479 : i32
      %parallel_loop3A_482 = vector.broadcast %parallel_loop3A_461 : i32 to vector<16xi32>
      %parallel_loop3A_483 = arith.constant 0 : i32
      %parallel_loop3A_484 = arith.addi %parallel_loop3A_481, %parallel_loop3A_483 : i32
      %parallel_loop3A_485 = arith.index_cast %parallel_loop3A_484 : i32 to index
      %parallel_loop3A_486 = tpu.vector_load %arg4[%parallel_loop3A_485] {strides = array<i32>} : memref<65536xf32, #tpu.memory_space<vmem>>, vector<16xf32>,
      %parallel_loop3A_487 = vector.shape_cast %parallel_loop3A_486 : vector<16xf32> to vector<16xf32>
      %parallel_loop3A_488 = arith.constant 16 : i32
      %parallel_loop3A_489 = arith.addi %parallel_loop3A_481, %parallel_loop3A_488 : i32
      %parallel_loop3A_490 = arith.index_cast %parallel_loop3A_489 : i32 to index
      %parallel_loop3A_491 = tpu.vector_load %arg4[%parallel_loop3A_490] {strides = array<i32>} : memref<65536xf32, #tpu.memory_space<vmem>>, vector<16xf32>,
      %parallel_loop3A_492 = vector.shape_cast %parallel_loop3A_491 : vector<16xf32> to vector<16xf32>
      %parallel_loop3A_493 = arith.constant 32 : i32
      %parallel_loop3A_494 = arith.addi %parallel_loop3A_481, %parallel_loop3A_493 : i32
      %parallel_loop3A_495 = arith.index_cast %parallel_loop3A_494 : i32 to index
      %parallel_loop3A_496 = tpu.vector_load %arg4[%parallel_loop3A_495] {strides = array<i32>} : memref<65536xf32, #tpu.memory_space<vmem>>, vector<16xf32>,
      %parallel_loop3A_497 = vector.shape_cast %parallel_loop3A_496 : vector<16xf32> to vector<16xf32>
      %parallel_loop3A_498 = arith.constant 48 : i32
      %parallel_loop3A_499 = arith.addi %parallel_loop3A_481, %parallel_loop3A_498 : i32
      %parallel_loop3A_500 = arith.index_cast %parallel_loop3A_499 : i32 to index
      %parallel_loop3A_501 = tpu.vector_load %arg4[%parallel_loop3A_500] {strides = array<i32>} : memref<65536xf32, #tpu.memory_space<vmem>>, vector<16xf32>,
      %parallel_loop3A_502 = vector.shape_cast %parallel_loop3A_501 : vector<16xf32> to vector<16xf32>
      %parallel_loop3A_503 = arith.constant 64 : i32
      %parallel_loop3A_504 = arith.addi %parallel_loop3A_481, %parallel_loop3A_503 : i32
      %parallel_loop3A_505 = arith.index_cast %parallel_loop3A_504 : i32 to index
      %parallel_loop3A_506 = tpu.vector_load %arg4[%parallel_loop3A_505] {strides = array<i32>} : memref<65536xf32, #tpu.memory_space<vmem>>, vector<16xf32>,
      %parallel_loop3A_507 = vector.shape_cast %parallel_loop3A_506 : vector<16xf32> to vector<16xf32>
      %parallel_loop3A_508 = arith.constant 80 : i32
      %parallel_loop3A_509 = arith.addi %parallel_loop3A_481, %parallel_loop3A_508 : i32
      %parallel_loop3A_510 = arith.index_cast %parallel_loop3A_509 : i32 to index
      %parallel_loop3A_511 = tpu.vector_load %arg4[%parallel_loop3A_510] {strides = array<i32>} : memref<65536xf32, #tpu.memory_space<vmem>>, vector<16xf32>,
      %parallel_loop3A_512 = vector.shape_cast %parallel_loop3A_511 : vector<16xf32> to vector<16xf32>
      %parallel_loop3A_513 = arith.constant 96 : i32
      %parallel_loop3A_514 = arith.addi %parallel_loop3A_481, %parallel_loop3A_513 : i32
      %parallel_loop3A_515 = arith.index_cast %parallel_loop3A_514 : i32 to index
      %parallel_loop3A_516 = tpu.vector_load %arg4[%parallel_loop3A_515] {strides = array<i32>} : memref<65536xf32, #tpu.memory_space<vmem>>, vector<16xf32>,
      %parallel_loop3A_517 = vector.shape_cast %parallel_loop3A_516 : vector<16xf32> to vector<16xf32>
      %parallel_loop3A_518 = arith.constant 112 : i32
      %parallel_loop3A_519 = arith.addi %parallel_loop3A_481, %parallel_loop3A_518 : i32
      %parallel_loop3A_520 = arith.index_cast %parallel_loop3A_519 : i32 to index
      %parallel_loop3A_521 = tpu.vector_load %arg4[%parallel_loop3A_520] {strides = array<i32>} : memref<65536xf32, #tpu.memory_space<vmem>>, vector<16xf32>,
      %parallel_loop3A_522 = vector.shape_cast %parallel_loop3A_521 : vector<16xf32> to vector<16xf32>
      %parallel_loop3A_523 = arith.cmpf ogt, %parallel_loop3A_487, %parallel_loop3A_462 : vector<16xf32>
      %parallel_loop3A_524 = arith.cmpf ogt, %parallel_loop3A_492, %parallel_loop3A_463 : vector<16xf32>
      %parallel_loop3A_525 = arith.cmpf ogt, %parallel_loop3A_497, %parallel_loop3A_464 : vector<16xf32>
      %parallel_loop3A_526 = arith.cmpf ogt, %parallel_loop3A_502, %parallel_loop3A_465 : vector<16xf32>
      %parallel_loop3A_527 = arith.cmpf ogt, %parallel_loop3A_507, %parallel_loop3A_466 : vector<16xf32>
      %parallel_loop3A_528 = arith.cmpf ogt, %parallel_loop3A_512, %parallel_loop3A_467 : vector<16xf32>
      %parallel_loop3A_529 = arith.cmpf ogt, %parallel_loop3A_517, %parallel_loop3A_468 : vector<16xf32>
      %parallel_loop3A_530 = arith.cmpf ogt, %parallel_loop3A_522, %parallel_loop3A_469 : vector<16xf32>
      %parallel_loop3A_531 = arith.select %parallel_loop3A_523, %parallel_loop3A_487, %parallel_loop3A_462 : vector<16xi1>, vector<16xf32>
      %parallel_loop3A_532 = arith.select %parallel_loop3A_524, %parallel_loop3A_492, %parallel_loop3A_463 : vector<16xi1>, vector<16xf32>
      %parallel_loop3A_533 = arith.select %parallel_loop3A_525, %parallel_loop3A_497, %parallel_loop3A_464 : vector<16xi1>, vector<16xf32>
      %parallel_loop3A_534 = arith.select %parallel_loop3A_526, %parallel_loop3A_502, %parallel_loop3A_465 : vector<16xi1>, vector<16xf32>
      %parallel_loop3A_535 = arith.select %parallel_loop3A_527, %parallel_loop3A_507, %parallel_loop3A_466 : vector<16xi1>, vector<16xf32>
      %parallel_loop3A_536 = arith.select %parallel_loop3A_528, %parallel_loop3A_512, %parallel_loop3A_467 : vector<16xi1>, vector<16xf32>
      %parallel_loop3A_537 = arith.select %parallel_loop3A_529, %parallel_loop3A_517, %parallel_loop3A_468 : vector<16xi1>, vector<16xf32>
      %parallel_loop3A_538 = arith.select %parallel_loop3A_530, %parallel_loop3A_522, %parallel_loop3A_469 : vector<16xi1>, vector<16xf32>
      %parallel_loop3A_539 = arith.select %parallel_loop3A_523, %parallel_loop3A_482, %parallel_loop3A_470 : vector<16xi1>, vector<16xi32>
      %parallel_loop3A_540 = arith.select %parallel_loop3A_524, %parallel_loop3A_482, %parallel_loop3A_471 : vector<16xi1>, vector<16xi32>
      %parallel_loop3A_541 = arith.select %parallel_loop3A_525, %parallel_loop3A_482, %parallel_loop3A_472 : vector<16xi1>, vector<16xi32>
      %parallel_loop3A_542 = arith.select %parallel_loop3A_526, %parallel_loop3A_482, %parallel_loop3A_473 : vector<16xi1>, vector<16xi32>
      %parallel_loop3A_543 = arith.select %parallel_loop3A_527, %parallel_loop3A_482, %parallel_loop3A_474 : vector<16xi1>, vector<16xi32>
      %parallel_loop3A_544 = arith.select %parallel_loop3A_528, %parallel_loop3A_482, %parallel_loop3A_475 : vector<16xi1>, vector<16xi32>
      %parallel_loop3A_545 = arith.select %parallel_loop3A_529, %parallel_loop3A_482, %parallel_loop3A_476 : vector<16xi1>, vector<16xi32>
      %parallel_loop3A_546 = arith.select %parallel_loop3A_530, %parallel_loop3A_482, %parallel_loop3A_477 : vector<16xi1>, vector<16xi32>
      scf.yield %parallel_loop3A_531, %parallel_loop3A_532, %parallel_loop3A_533, %parallel_loop3A_534, %parallel_loop3A_535, %parallel_loop3A_536, %parallel_loop3A_537, %parallel_loop3A_538, %parallel_loop3A_539, %parallel_loop3A_540, %parallel_loop3A_541, %parallel_loop3A_542, %parallel_loop3A_543, %parallel_loop3A_544, %parallel_loop3A_545, %parallel_loop3A_546 : vector<16xf32>, vector<16xf32>, vector<16xf32>, vector<16xf32>, vector<16xf32>, vector<16xf32>, vector<16xf32>, vector<16xf32>, vector<16xi32>, vector<16xi32>, vector<16xi32>, vector<16xi32>, vector<16xi32>, vector<16xi32>, vector<16xi32>, vector<16xi32>
    } {sc.loop_unroll_factor = 4 : i64, sc.parallel_access}
    %iota3A_79 = tpu.iota {dimensions = array<i32: 0>} : vector<16xi32>
    %mul3A_80 = arith.constant 128 : i32
    %mul3A_81 = vector.broadcast %mul3A_80 : i32 to vector<16xi32>
    %mul3A_82 = arith.muli %parallel_loop3A_78#8, %mul3A_81 : vector<16xi32>
    %add3A_83 = arith.constant 0 : i32
    %add3A_84 = vector.broadcast %add3A_83 : i32 to vector<16xi32>
    %add3A_85 = arith.addi %add3A_84, %iota3A_79 : vector<16xi32>
    %add3A_86 = arith.addi %mul3A_82, %add3A_85 : vector<16xi32>
    %mul3A_87 = arith.constant 128 : i32
    %mul3A_88 = vector.broadcast %mul3A_87 : i32 to vector<16xi32>
    %mul3A_89 = arith.muli %parallel_loop3A_78#9, %mul3A_88 : vector<16xi32>
    %add3A_90 = arith.constant 16 : i32
    %add3A_91 = vector.broadcast %add3A_90 : i32 to vector<16xi32>
    %add3A_92 = arith.addi %add3A_91, %iota3A_79 : vector<16xi32>
    %add3A_93 = arith.addi %mul3A_89, %add3A_92 : vector<16xi32>
    %mul3A_94 = arith.constant 128 : i32
    %mul3A_95 = vector.broadcast %mul3A_94 : i32 to vector<16xi32>
    %mul3A_96 = arith.muli %parallel_loop3A_78#10, %mul3A_95 : vector<16xi32>
    %add3A_97 = arith.constant 32 : i32
    %add3A_98 = vector.broadcast %add3A_97 : i32 to vector<16xi32>
    %add3A_99 = arith.addi %add3A_98, %iota3A_79 : vector<16xi32>
    %add3A_100 = arith.addi %mul3A_96, %add3A_99 : vector<16xi32>
    %mul3A_101 = arith.constant 128 : i32
    %mul3A_102 = vector.broadcast %mul3A_101 : i32 to vector<16xi32>
    %mul3A_103 = arith.muli %parallel_loop3A_78#11, %mul3A_102 : vector<16xi32>
    %add3A_104 = arith.constant 48 : i32
    %add3A_105 = vector.broadcast %add3A_104 : i32 to vector<16xi32>
    %add3A_106 = arith.addi %add3A_105, %iota3A_79 : vector<16xi32>
    %add3A_107 = arith.addi %mul3A_103, %add3A_106 : vector<16xi32>
    %mul3A_108 = arith.constant 128 : i32
    %mul3A_109 = vector.broadcast %mul3A_108 : i32 to vector<16xi32>
    %mul3A_110 = arith.muli %parallel_loop3A_78#12, %mul3A_109 : vector<16xi32>
    %add3A_111 = arith.constant 64 : i32
    %add3A_112 = vector.broadcast %add3A_111 : i32 to vector<16xi32>
    %add3A_113 = arith.addi %add3A_112, %iota3A_79 : vector<16xi32>
    %add3A_114 = arith.addi %mul3A_110, %add3A_113 : vector<16xi32>
    %mul3A_115 = arith.constant 128 : i32
    %mul3A_116 = vector.broadcast %mul3A_115 : i32 to vector<16xi32>
    %mul3A_117 = arith.muli %parallel_loop3A_78#13, %mul3A_116 : vector<16xi32>
    %add3A_118 = arith.constant 80 : i32
    %add3A_119 = vector.broadcast %add3A_118 : i32 to vector<16xi32>
    %add3A_120 = arith.addi %add3A_119, %iota3A_79 : vector<16xi32>
    %add3A_121 = arith.addi %mul3A_117, %add3A_120 : vector<16xi32>
    %mul3A_122 = arith.constant 128 : i32
    %mul3A_123 = vector.broadcast %mul3A_122 : i32 to vector<16xi32>
    %mul3A_124 = arith.muli %parallel_loop3A_78#14, %mul3A_123 : vector<16xi32>
    %add3A_125 = arith.constant 96 : i32
    %add3A_126 = vector.broadcast %add3A_125 : i32 to vector<16xi32>
    %add3A_127 = arith.addi %add3A_126, %iota3A_79 : vector<16xi32>
    %add3A_128 = arith.addi %mul3A_124, %add3A_127 : vector<16xi32>
    %mul3A_129 = arith.constant 128 : i32
    %mul3A_130 = vector.broadcast %mul3A_129 : i32 to vector<16xi32>
    %mul3A_131 = arith.muli %parallel_loop3A_78#15, %mul3A_130 : vector<16xi32>
    %add3A_132 = arith.constant 112 : i32
    %add3A_133 = vector.broadcast %add3A_132 : i32 to vector<16xi32>
    %add3A_134 = arith.addi %add3A_133, %iota3A_79 : vector<16xi32>
    %add3A_135 = arith.addi %mul3A_131, %add3A_134 : vector<16xi32>
    %gt3A = arith.cmpf ogt, %parallel_loop3A_78#1, %parallel_loop3A_78#0 : vector<16xf32>
    %eq3A = arith.cmpf oeq, %parallel_loop3A_78#1, %parallel_loop3A_78#0 : vector<16xf32>
    %lt3A = arith.cmpi slt, %add3A_93, %add3A_86 : vector<16xi32>
    %and3A = arith.andi %eq3A, %lt3A : vector<16xi1>
    %or3A = arith.ori %gt3A, %and3A : vector<16xi1>
    %select_n3A = arith.select %or3A, %parallel_loop3A_78#1, %parallel_loop3A_78#0 : vector<16xi1>, vector<16xf32>
    %select_n3A_136 = arith.select %or3A, %add3A_93, %add3A_86 : vector<16xi1>, vector<16xi32>
    %gt3A_137 = arith.cmpf ogt, %parallel_loop3A_78#3, %parallel_loop3A_78#2 : vector<16xf32>
    %eq3A_138 = arith.cmpf oeq, %parallel_loop3A_78#3, %parallel_loop3A_78#2 : vector<16xf32>
    %lt3A_139 = arith.cmpi slt, %add3A_107, %add3A_100 : vector<16xi32>
    %and3A_140 = arith.andi %eq3A_138, %lt3A_139 : vector<16xi1>
    %or3A_141 = arith.ori %gt3A_137, %and3A_140 : vector<16xi1>
    %select_n3A_142 = arith.select %or3A_141, %parallel_loop3A_78#3, %parallel_loop3A_78#2 : vector<16xi1>, vector<16xf32>
    %select_n3A_143 = arith.select %or3A_141, %add3A_107, %add3A_100 : vector<16xi1>, vector<16xi32>
    %gt3A_144 = arith.cmpf ogt, %parallel_loop3A_78#5, %parallel_loop3A_78#4 : vector<16xf32>
    %eq3A_145 = arith.cmpf oeq, %parallel_loop3A_78#5, %parallel_loop3A_78#4 : vector<16xf32>
    %lt3A_146 = arith.cmpi slt, %add3A_121, %add3A_114 : vector<16xi32>
    %and3A_147 = arith.andi %eq3A_145, %lt3A_146 : vector<16xi1>
    %or3A_148 = arith.ori %gt3A_144, %and3A_147 : vector<16xi1>
    %select_n3A_149 = arith.select %or3A_148, %parallel_loop3A_78#5, %parallel_loop3A_78#4 : vector<16xi1>, vector<16xf32>
    %select_n3A_150 = arith.select %or3A_148, %add3A_121, %add3A_114 : vector<16xi1>, vector<16xi32>
    %gt3A_151 = arith.cmpf ogt, %parallel_loop3A_78#7, %parallel_loop3A_78#6 : vector<16xf32>
    %eq3A_152 = arith.cmpf oeq, %parallel_loop3A_78#7, %parallel_loop3A_78#6 : vector<16xf32>
    %lt3A_153 = arith.cmpi slt, %add3A_135, %add3A_128 : vector<16xi32>
    %and3A_154 = arith.andi %eq3A_152, %lt3A_153 : vector<16xi1>
    %or3A_155 = arith.ori %gt3A_151, %and3A_154 : vector<16xi1>
    %select_n3A_156 = arith.select %or3A_155, %parallel_loop3A_78#7, %parallel_loop3A_78#6 : vector<16xi1>, vector<16xf32>
    %select_n3A_157 = arith.select %or3A_155, %add3A_135, %add3A_128 : vector<16xi1>, vector<16xi32>
    %gt3A_158 = arith.cmpf ogt, %select_n3A_142, %select_n3A : vector<16xf32>
    %eq3A_159 = arith.cmpf oeq, %select_n3A_142, %select_n3A : vector<16xf32>
    %lt3A_160 = arith.cmpi slt, %select_n3A_143, %select_n3A_136 : vector<16xi32>
    %and3A_161 = arith.andi %eq3A_159, %lt3A_160 : vector<16xi1>
    %or3A_162 = arith.ori %gt3A_158, %and3A_161 : vector<16xi1>
    %select_n3A_163 = arith.select %or3A_162, %select_n3A_142, %select_n3A : vector<16xi1>, vector<16xf32>
    %select_n3A_164 = arith.select %or3A_162, %select_n3A_143, %select_n3A_136 : vector<16xi1>, vector<16xi32>
    %gt3A_165 = arith.cmpf ogt, %select_n3A_156, %select_n3A_149 : vector<16xf32>
    %eq3A_166 = arith.cmpf oeq, %select_n3A_156, %select_n3A_149 : vector<16xf32>
    %lt3A_167 = arith.cmpi slt, %select_n3A_157, %select_n3A_150 : vector<16xi32>
    %and3A_168 = arith.andi %eq3A_166, %lt3A_167 : vector<16xi1>
    %or3A_169 = arith.ori %gt3A_165, %and3A_168 : vector<16xi1>
    %select_n3A_170 = arith.select %or3A_169, %select_n3A_156, %select_n3A_149 : vector<16xi1>, vector<16xf32>
    %select_n3A_171 = arith.select %or3A_169, %select_n3A_157, %select_n3A_150 : vector<16xi1>, vector<16xi32>
    %gt3A_172 = arith.cmpf ogt, %select_n3A_170, %select_n3A_163 : vector<16xf32>
    %eq3A_173 = arith.cmpf oeq, %select_n3A_170, %select_n3A_163 : vector<16xf32>
    %lt3A_174 = arith.cmpi slt, %select_n3A_171, %select_n3A_164 : vector<16xi32>
    %and3A_175 = arith.andi %eq3A_173, %lt3A_174 : vector<16xi1>
    %or3A_176 = arith.ori %gt3A_172, %and3A_175 : vector<16xi1>
    %select_n3A_177 = arith.select %or3A_176, %select_n3A_170, %select_n3A_163 : vector<16xi1>, vector<16xf32>
    %select_n3A_178 = arith.select %or3A_176, %select_n3A_171, %select_n3A_164 : vector<16xi1>, vector<16xi32>
    %xor3A = arith.constant 1 : i32
    %xor3A_179 = vector.broadcast %xor3A : i32 to vector<16xi32>
    %xor3A_180 = arith.xori %iota3A_79, %xor3A_179 : vector<16xi32>
    %broadcast_in_dim3A_181 = vector.shape_cast %xor3A_180 : vector<16xi32> to vector<16x1xi32>
    %gather3A = vector.shape_cast %broadcast_in_dim3A_181 : vector<16x1xi32> to vector<16xi32>
    %gather3A_182 = tpu.dynamic_gather %select_n3A_177[%gather3A] in [0] : vector<16xf32>, vector<16xi32> -> vector<16xf32>
    %broadcast_in_dim3A_183 = vector.shape_cast %xor3A_180 : vector<16xi32> to vector<16x1xi32>
    %gather3A_184 = vector.shape_cast %broadcast_in_dim3A_183 : vector<16x1xi32> to vector<16xi32>
    %gather3A_185 = tpu.dynamic_gather %select_n3A_178[%gather3A_184] in [0] : vector<16xi32>, vector<16xi32> -> vector<16xi32>
    %gt3A_186 = arith.cmpf ogt, %gather3A_182, %select_n3A_177 : vector<16xf32>
    %eq3A_187 = arith.cmpf oeq, %gather3A_182, %select_n3A_177 : vector<16xf32>
    %lt3A_188 = arith.cmpi slt, %gather3A_185, %select_n3A_178 : vector<16xi32>
    %and3A_189 = arith.andi %eq3A_187, %lt3A_188 : vector<16xi1>
    %or3A_190 = arith.ori %gt3A_186, %and3A_189 : vector<16xi1>
    %select_n3A_191 = arith.select %or3A_190, %gather3A_182, %select_n3A_177 : vector<16xi1>, vector<16xf32>
    %select_n3A_192 = arith.select %or3A_190, %gather3A_185, %select_n3A_178 : vector<16xi1>, vector<16xi32>
    %xor3A_193 = arith.constant 2 : i32
    %xor3A_194 = vector.broadcast %xor3A_193 : i32 to vector<16xi32>
    %xor3A_195 = arith.xori %iota3A_79, %xor3A_194 : vector<16xi32>
    %broadcast_in_dim3A_196 = vector.shape_cast %xor3A_195 : vector<16xi32> to vector<16x1xi32>
    %gather3A_197 = vector.shape_cast %broadcast_in_dim3A_196 : vector<16x1xi32> to vector<16xi32>
    %gather3A_198 = tpu.dynamic_gather %select_n3A_191[%gather3A_197] in [0] : vector<16xf32>, vector<16xi32> -> vector<16xf32>
    %broadcast_in_dim3A_199 = vector.shape_cast %xor3A_195 : vector<16xi32> to vector<16x1xi32>
    %gather3A_200 = vector.shape_cast %broadcast_in_dim3A_199 : vector<16x1xi32> to vector<16xi32>
    %gather3A_201 = tpu.dynamic_gather %select_n3A_192[%gather3A_200] in [0] : vector<16xi32>, vector<16xi32> -> vector<16xi32>
    %gt3A_202 = arith.cmpf ogt, %gather3A_198, %select_n3A_191 : vector<16xf32>
    %eq3A_203 = arith.cmpf oeq, %gather3A_198, %select_n3A_191 : vector<16xf32>
    %lt3A_204 = arith.cmpi slt, %gather3A_201, %select_n3A_192 : vector<16xi32>
    %and3A_205 = arith.andi %eq3A_203, %lt3A_204 : vector<16xi1>
    %or3A_206 = arith.ori %gt3A_202, %and3A_205 : vector<16xi1>
    %select_n3A_207 = arith.select %or3A_206, %gather3A_198, %select_n3A_191 : vector<16xi1>, vector<16xf32>
    %select_n3A_208 = arith.select %or3A_206, %gather3A_201, %select_n3A_192 : vector<16xi1>, vector<16xi32>
    %xor3A_209 = arith.constant 4 : i32
    %xor3A_210 = vector.broadcast %xor3A_209 : i32 to vector<16xi32>
    %xor3A_211 = arith.xori %iota3A_79, %xor3A_210 : vector<16xi32>
    %broadcast_in_dim3A_212 = vector.shape_cast %xor3A_211 : vector<16xi32> to vector<16x1xi32>
    %gather3A_213 = vector.shape_cast %broadcast_in_dim3A_212 : vector<16x1xi32> to vector<16xi32>
    %gather3A_214 = tpu.dynamic_gather %select_n3A_207[%gather3A_213] in [0] : vector<16xf32>, vector<16xi32> -> vector<16xf32>
    %broadcast_in_dim3A_215 = vector.shape_cast %xor3A_211 : vector<16xi32> to vector<16x1xi32>
    %gather3A_216 = vector.shape_cast %broadcast_in_dim3A_215 : vector<16x1xi32> to vector<16xi32>
    %gather3A_217 = tpu.dynamic_gather %select_n3A_208[%gather3A_216] in [0] : vector<16xi32>, vector<16xi32> -> vector<16xi32>
    %gt3A_218 = arith.cmpf ogt, %gather3A_214, %select_n3A_207 : vector<16xf32>
    %eq3A_219 = arith.cmpf oeq, %gather3A_214, %select_n3A_207 : vector<16xf32>
    %lt3A_220 = arith.cmpi slt, %gather3A_217, %select_n3A_208 : vector<16xi32>
    %and3A_221 = arith.andi %eq3A_219, %lt3A_220 : vector<16xi1>
    %or3A_222 = arith.ori %gt3A_218, %and3A_221 : vector<16xi1>
    %select_n3A_223 = arith.select %or3A_222, %gather3A_214, %select_n3A_207 : vector<16xi1>, vector<16xf32>
    %select_n3A_224 = arith.select %or3A_222, %gather3A_217, %select_n3A_208 : vector<16xi1>, vector<16xi32>
    %xor3A_225 = arith.constant 8 : i32
    %xor3A_226 = vector.broadcast %xor3A_225 : i32 to vector<16xi32>
    %xor3A_227 = arith.xori %iota3A_79, %xor3A_226 : vector<16xi32>
    %broadcast_in_dim3A_228 = vector.shape_cast %xor3A_227 : vector<16xi32> to vector<16x1xi32>
    %gather3A_229 = vector.shape_cast %broadcast_in_dim3A_228 : vector<16x1xi32> to vector<16xi32>
    %gather3A_230 = tpu.dynamic_gather %select_n3A_223[%gather3A_229] in [0] : vector<16xf32>, vector<16xi32> -> vector<16xf32>
    %broadcast_in_dim3A_231 = vector.shape_cast %xor3A_227 : vector<16xi32> to vector<16x1xi32>
    %gather3A_232 = vector.shape_cast %broadcast_in_dim3A_231 : vector<16x1xi32> to vector<16xi32>
    %gather3A_233 = tpu.dynamic_gather %select_n3A_224[%gather3A_232] in [0] : vector<16xi32>, vector<16xi32> -> vector<16xi32>
    %gt3A_234 = arith.cmpf ogt, %gather3A_230, %select_n3A_223 : vector<16xf32>
    %eq3A_235 = arith.cmpf oeq, %gather3A_230, %select_n3A_223 : vector<16xf32>
    %lt3A_236 = arith.cmpi slt, %gather3A_233, %select_n3A_224 : vector<16xi32>
    %and3A_237 = arith.andi %eq3A_235, %lt3A_236 : vector<16xi1>
    %or3A_238 = arith.ori %gt3A_234, %and3A_237 : vector<16xi1>
    %select_n3A_239 = arith.select %or3A_238, %gather3A_230, %select_n3A_223 : vector<16xi1>, vector<16xf32>
    %select_n3A_240 = arith.select %or3A_238, %gather3A_233, %select_n3A_224 : vector<16xi1>, vector<16xi32>
    %swap3A = arith.constant 0 : index
    %swap3A_241 = tpu.vector_load %arg5[%swap3A] {strides = array<i32>} : memref<16xi32, #tpu.memory_space<vmem>>, vector<16xi32>,
    %swap3A_242 = vector.shape_cast %swap3A_241 : vector<16xi32> to vector<16xi32>
    %swap3A_243 = vector.shape_cast %select_n3A_240 : vector<16xi32> to vector<16xi32>
    tpu.vector_store %arg5[%swap3A], %swap3A_243 {strides = array<i32>} : memref<16xi32, #tpu.memory_space<vmem>>, vector<16xi32>,
    %mul3A_244 = arith.constant 2 : i32
    %mul3A_245 = arith.muli %arg1, %mul3A_244 : i32
    %add3A_246 = arith.constant 0 : i32
    %add3A_247 = arith.addi %mul3A_245, %add3A_246 : i32
    %mul3A_248 = arith.constant 16 : i32
    %mul3A_249 = arith.muli %add3A_247, %mul3A_248 : i32
    "tpu.region"() ({
      %run_scoped3A = tpu.sem_alloc : memref<!tpu.dma_semaphore, #tpu.memory_space<semaphore_mem>>
      %dma_start3A_461 = tpu.memref_slice %arg8[%mul3A_249] : memref<512xi32, #tpu.memory_space<vmem_shared>> -> memref<16xi32, #tpu.memory_space<vmem_shared>>
      %dma_start3A_462 = tpu.memref_slice %arg8[%mul3A_249] : memref<512xi32, #tpu.memory_space<vmem_shared>> -> memref<16xi32, #tpu.memory_space<vmem_shared>>
      tpu.enqueue_dma source(%arg5 : memref<16xi32, #tpu.memory_space<vmem>>) target(%dma_start3A_462 : memref<16xi32, #tpu.memory_space<vmem_shared>>) target_semaphore(%run_scoped3A : memref<!tpu.dma_semaphore, #tpu.memory_space<semaphore_mem>>)
      %dma_wait3A_463 = tpu.memref_slice %arg8[%mul3A_249] : memref<512xi32, #tpu.memory_space<vmem_shared>> -> memref<16xi32, #tpu.memory_space<vmem_shared>>
      %dma_wait3A_464 = tpu.memref_slice %arg8[%mul3A_249] : memref<512xi32, #tpu.memory_space<vmem_shared>> -> memref<16xi32, #tpu.memory_space<vmem_shared>>
      tpu.wait_dma2 semaphore(%run_scoped3A : memref<!tpu.dma_semaphore, #tpu.memory_space<semaphore_mem>>) src(%arg5 : memref<16xi32, #tpu.memory_space<vmem>>) dst(%dma_wait3A_464 : memref<16xi32, #tpu.memory_space<vmem_shared>>)
      tpu.yield
    }) : () -> ()
    %dma_wait3A_250 = arith.constant 32768 : i32
    %dma_wait3A_251 = tpu.memref_slice %arg4[%dma_wait3A_250] : memref<65536xf32, #tpu.memory_space<vmem>> -> memref<16384xf32, #tpu.memory_space<vmem>>
    %dma_wait3A_252 = arith.constant 0 : i32
    %dma_wait3A_253 = tpu.memref_slice %arg2[%add3A_27, %dma_wait3A_252] : memref<64x32768xf32, #tpu.memory_space<hbm>> -> memref<1x16384xf32, #tpu.memory_space<hbm>>
    %dma_wait3A_254 = tpu.memref_squeeze %dma_wait3A_253 : memref<1x16384xf32, #tpu.memory_space<hbm>> -> memref<16384xf32, #tpu.memory_space<hbm>>
    %dma_wait3A_255 = arith.constant 32768 : i32
    %dma_wait3A_256 = tpu.memref_slice %arg4[%dma_wait3A_255] : memref<65536xf32, #tpu.memory_space<vmem>> -> memref<16384xf32, #tpu.memory_space<vmem>>
    %dma_wait3A_257 = arith.constant 0 : i32
    %dma_wait3A_258 = tpu.memref_slice %arg2[%add3A_27, %dma_wait3A_257] : memref<64x32768xf32, #tpu.memory_space<hbm>> -> memref<1x16384xf32, #tpu.memory_space<hbm>>
    %dma_wait3A_259 = tpu.memref_squeeze %dma_wait3A_258 : memref<1x16384xf32, #tpu.memory_space<hbm>> -> memref<16384xf32, #tpu.memory_space<hbm>>
    tpu.wait_dma2 semaphore(%arg11 : memref<!tpu.dma_semaphore, #tpu.memory_space<semaphore_mem>>) src(%dma_wait3A_259 : memref<16384xf32, #tpu.memory_space<hbm>>) dst(%dma_wait3A_256 : memref<16384xf32, #tpu.memory_space<vmem>>)
    %parallel_loop3A_260 = arith.constant 0 : i32
    %parallel_loop3A_261 = arith.constant 128 : i32
    %parallel_loop3A_262 = arith.constant 1 : i32
    %parallel_loop3A_263:16 = scf.for %parallel_loop3A_461 = %parallel_loop3A_260 to %parallel_loop3A_261 step %parallel_loop3A_262 iter_args(%parallel_loop3A_462 = %broadcast_in_dim3A_50, %parallel_loop3A_463 = %broadcast_in_dim3A_50, %parallel_loop3A_464 = %broadcast_in_dim3A_50, %parallel_loop3A_465 = %broadcast_in_dim3A_50, %parallel_loop3A_466 = %broadcast_in_dim3A_50, %parallel_loop3A_467 = %broadcast_in_dim3A_50, %parallel_loop3A_468 = %broadcast_in_dim3A_50, %parallel_loop3A_469 = %broadcast_in_dim3A_50, %parallel_loop3A_470 = %broadcast_in_dim3A_52, %parallel_loop3A_471 = %broadcast_in_dim3A_52, %parallel_loop3A_472 = %broadcast_in_dim3A_52, %parallel_loop3A_473 = %broadcast_in_dim3A_52, %parallel_loop3A_474 = %broadcast_in_dim3A_52, %parallel_loop3A_475 = %broadcast_in_dim3A_52, %parallel_loop3A_476 = %broadcast_in_dim3A_52, %parallel_loop3A_477 = %broadcast_in_dim3A_52) -> (vector<16xf32>, vector<16xf32>, vector<16xf32>, vector<16xf32>, vector<16xf32>, vector<16xf32>, vector<16xf32>, vector<16xf32>, vector<16xi32>, vector<16xi32>, vector<16xi32>, vector<16xi32>, vector<16xi32>, vector<16xi32>, vector<16xi32>, vector<16xi32>)  : i32 {
      %parallel_loop3A_478 = arith.constant 128 : i32
      %parallel_loop3A_479 = arith.muli %parallel_loop3A_461, %parallel_loop3A_478 : i32
      %parallel_loop3A_480 = arith.constant 32768 : i32
      %parallel_loop3A_481 = arith.addi %parallel_loop3A_480, %parallel_loop3A_479 : i32
      %parallel_loop3A_482 = vector.broadcast %parallel_loop3A_461 : i32 to vector<16xi32>
      %parallel_loop3A_483 = arith.constant 0 : i32
      %parallel_loop3A_484 = arith.addi %parallel_loop3A_481, %parallel_loop3A_483 : i32
      %parallel_loop3A_485 = arith.index_cast %parallel_loop3A_484 : i32 to index
      %parallel_loop3A_486 = tpu.vector_load %arg4[%parallel_loop3A_485] {strides = array<i32>} : memref<65536xf32, #tpu.memory_space<vmem>>, vector<16xf32>,
      %parallel_loop3A_487 = vector.shape_cast %parallel_loop3A_486 : vector<16xf32> to vector<16xf32>
      %parallel_loop3A_488 = arith.constant 16 : i32
      %parallel_loop3A_489 = arith.addi %parallel_loop3A_481, %parallel_loop3A_488 : i32
      %parallel_loop3A_490 = arith.index_cast %parallel_loop3A_489 : i32 to index
      %parallel_loop3A_491 = tpu.vector_load %arg4[%parallel_loop3A_490] {strides = array<i32>} : memref<65536xf32, #tpu.memory_space<vmem>>, vector<16xf32>,
      %parallel_loop3A_492 = vector.shape_cast %parallel_loop3A_491 : vector<16xf32> to vector<16xf32>
      %parallel_loop3A_493 = arith.constant 32 : i32
      %parallel_loop3A_494 = arith.addi %parallel_loop3A_481, %parallel_loop3A_493 : i32
      %parallel_loop3A_495 = arith.index_cast %parallel_loop3A_494 : i32 to index
      %parallel_loop3A_496 = tpu.vector_load %arg4[%parallel_loop3A_495] {strides = array<i32>} : memref<65536xf32, #tpu.memory_space<vmem>>, vector<16xf32>,
      %parallel_loop3A_497 = vector.shape_cast %parallel_loop3A_496 : vector<16xf32> to vector<16xf32>
      %parallel_loop3A_498 = arith.constant 48 : i32
      %parallel_loop3A_499 = arith.addi %parallel_loop3A_481, %parallel_loop3A_498 : i32
      %parallel_loop3A_500 = arith.index_cast %parallel_loop3A_499 : i32 to index
      %parallel_loop3A_501 = tpu.vector_load %arg4[%parallel_loop3A_500] {strides = array<i32>} : memref<65536xf32, #tpu.memory_space<vmem>>, vector<16xf32>,
      %parallel_loop3A_502 = vector.shape_cast %parallel_loop3A_501 : vector<16xf32> to vector<16xf32>
      %parallel_loop3A_503 = arith.constant 64 : i32
      %parallel_loop3A_504 = arith.addi %parallel_loop3A_481, %parallel_loop3A_503 : i32
      %parallel_loop3A_505 = arith.index_cast %parallel_loop3A_504 : i32 to index
      %parallel_loop3A_506 = tpu.vector_load %arg4[%parallel_loop3A_505] {strides = array<i32>} : memref<65536xf32, #tpu.memory_space<vmem>>, vector<16xf32>,
      %parallel_loop3A_507 = vector.shape_cast %parallel_loop3A_506 : vector<16xf32> to vector<16xf32>
      %parallel_loop3A_508 = arith.constant 80 : i32
      %parallel_loop3A_509 = arith.addi %parallel_loop3A_481, %parallel_loop3A_508 : i32
      %parallel_loop3A_510 = arith.index_cast %parallel_loop3A_509 : i32 to index
      %parallel_loop3A_511 = tpu.vector_load %arg4[%parallel_loop3A_510] {strides = array<i32>} : memref<65536xf32, #tpu.memory_space<vmem>>, vector<16xf32>,
      %parallel_loop3A_512 = vector.shape_cast %parallel_loop3A_511 : vector<16xf32> to vector<16xf32>
      %parallel_loop3A_513 = arith.constant 96 : i32
      %parallel_loop3A_514 = arith.addi %parallel_loop3A_481, %parallel_loop3A_513 : i32
      %parallel_loop3A_515 = arith.index_cast %parallel_loop3A_514 : i32 to index
      %parallel_loop3A_516 = tpu.vector_load %arg4[%parallel_loop3A_515] {strides = array<i32>} : memref<65536xf32, #tpu.memory_space<vmem>>, vector<16xf32>,
      %parallel_loop3A_517 = vector.shape_cast %parallel_loop3A_516 : vector<16xf32> to vector<16xf32>
      %parallel_loop3A_518 = arith.constant 112 : i32
      %parallel_loop3A_519 = arith.addi %parallel_loop3A_481, %parallel_loop3A_518 : i32
      %parallel_loop3A_520 = arith.index_cast %parallel_loop3A_519 : i32 to index
      %parallel_loop3A_521 = tpu.vector_load %arg4[%parallel_loop3A_520] {strides = array<i32>} : memref<65536xf32, #tpu.memory_space<vmem>>, vector<16xf32>,
      %parallel_loop3A_522 = vector.shape_cast %parallel_loop3A_521 : vector<16xf32> to vector<16xf32>
      %parallel_loop3A_523 = arith.cmpf ogt, %parallel_loop3A_487, %parallel_loop3A_462 : vector<16xf32>
      %parallel_loop3A_524 = arith.cmpf ogt, %parallel_loop3A_492, %parallel_loop3A_463 : vector<16xf32>
      %parallel_loop3A_525 = arith.cmpf ogt, %parallel_loop3A_497, %parallel_loop3A_464 : vector<16xf32>
      %parallel_loop3A_526 = arith.cmpf ogt, %parallel_loop3A_502, %parallel_loop3A_465 : vector<16xf32>
      %parallel_loop3A_527 = arith.cmpf ogt, %parallel_loop3A_507, %parallel_loop3A_466 : vector<16xf32>
      %parallel_loop3A_528 = arith.cmpf ogt, %parallel_loop3A_512, %parallel_loop3A_467 : vector<16xf32>
      %parallel_loop3A_529 = arith.cmpf ogt, %parallel_loop3A_517, %parallel_loop3A_468 : vector<16xf32>
      %parallel_loop3A_530 = arith.cmpf ogt, %parallel_loop3A_522, %parallel_loop3A_469 : vector<16xf32>
      %parallel_loop3A_531 = arith.select %parallel_loop3A_523, %parallel_loop3A_487, %parallel_loop3A_462 : vector<16xi1>, vector<16xf32>
      %parallel_loop3A_532 = arith.select %parallel_loop3A_524, %parallel_loop3A_492, %parallel_loop3A_463 : vector<16xi1>, vector<16xf32>
      %parallel_loop3A_533 = arith.select %parallel_loop3A_525, %parallel_loop3A_497, %parallel_loop3A_464 : vector<16xi1>, vector<16xf32>
      %parallel_loop3A_534 = arith.select %parallel_loop3A_526, %parallel_loop3A_502, %parallel_loop3A_465 : vector<16xi1>, vector<16xf32>
      %parallel_loop3A_535 = arith.select %parallel_loop3A_527, %parallel_loop3A_507, %parallel_loop3A_466 : vector<16xi1>, vector<16xf32>
      %parallel_loop3A_536 = arith.select %parallel_loop3A_528, %parallel_loop3A_512, %parallel_loop3A_467 : vector<16xi1>, vector<16xf32>
      %parallel_loop3A_537 = arith.select %parallel_loop3A_529, %parallel_loop3A_517, %parallel_loop3A_468 : vector<16xi1>, vector<16xf32>
      %parallel_loop3A_538 = arith.select %parallel_loop3A_530, %parallel_loop3A_522, %parallel_loop3A_469 : vector<16xi1>, vector<16xf32>
      %parallel_loop3A_539 = arith.select %parallel_loop3A_523, %parallel_loop3A_482, %parallel_loop3A_470 : vector<16xi1>, vector<16xi32>
      %parallel_loop3A_540 = arith.select %parallel_loop3A_524, %parallel_loop3A_482, %parallel_loop3A_471 : vector<16xi1>, vector<16xi32>
      %parallel_loop3A_541 = arith.select %parallel_loop3A_525, %parallel_loop3A_482, %parallel_loop3A_472 : vector<16xi1>, vector<16xi32>
      %parallel_loop3A_542 = arith.select %parallel_loop3A_526, %parallel_loop3A_482, %parallel_loop3A_473 : vector<16xi1>, vector<16xi32>
      %parallel_loop3A_543 = arith.select %parallel_loop3A_527, %parallel_loop3A_482, %parallel_loop3A_474 : vector<16xi1>, vector<16xi32>
      %parallel_loop3A_544 = arith.select %parallel_loop3A_528, %parallel_loop3A_482, %parallel_loop3A_475 : vector<16xi1>, vector<16xi32>
      %parallel_loop3A_545 = arith.select %parallel_loop3A_529, %parallel_loop3A_482, %parallel_loop3A_476 : vector<16xi1>, vector<16xi32>
      %parallel_loop3A_546 = arith.select %parallel_loop3A_530, %parallel_loop3A_482, %parallel_loop3A_477 : vector<16xi1>, vector<16xi32>
      scf.yield %parallel_loop3A_531, %parallel_loop3A_532, %parallel_loop3A_533, %parallel_loop3A_534, %parallel_loop3A_535, %parallel_loop3A_536, %parallel_loop3A_537, %parallel_loop3A_538, %parallel_loop3A_539, %parallel_loop3A_540, %parallel_loop3A_541, %parallel_loop3A_542, %parallel_loop3A_543, %parallel_loop3A_544, %parallel_loop3A_545, %parallel_loop3A_546 : vector<16xf32>, vector<16xf32>, vector<16xf32>, vector<16xf32>, vector<16xf32>, vector<16xf32>, vector<16xf32>, vector<16xf32>, vector<16xi32>, vector<16xi32>, vector<16xi32>, vector<16xi32>, vector<16xi32>, vector<16xi32>, vector<16xi32>, vector<16xi32>
    } {sc.loop_unroll_factor = 4 : i64, sc.parallel_access}
    %dma_wait3A_264 = arith.constant 49152 : i32
    %dma_wait3A_265 = tpu.memref_slice %arg4[%dma_wait3A_264] : memref<65536xf32, #tpu.memory_space<vmem>> -> memref<16384xf32, #tpu.memory_space<vmem>>
    %dma_wait3A_266 = arith.constant 16384 : i32
    %dma_wait3A_267 = tpu.memref_slice %arg2[%add3A_39, %dma_wait3A_266] : memref<64x32768xf32, #tpu.memory_space<hbm>> -> memref<1x16384xf32, #tpu.memory_space<hbm>>
    %dma_wait3A_268 = tpu.memref_squeeze %dma_wait3A_267 : memref<1x16384xf32, #tpu.memory_space<hbm>> -> memref<16384xf32, #tpu.memory_space<hbm>>
    %dma_wait3A_269 = arith.constant 49152 : i32
    %dma_wait3A_270 = tpu.memref_slice %arg4[%dma_wait3A_269] : memref<65536xf32, #tpu.memory_space<vmem>> -> memref<16384xf32, #tpu.memory_space<vmem>>
    %dma_wait3A_271 = arith.constant 16384 : i32
    %dma_wait3A_272 = tpu.memref_slice %arg2[%add3A_39, %dma_wait3A_271] : memref<64x32768xf32, #tpu.memory_space<hbm>> -> memref<1x16384xf32, #tpu.memory_space<hbm>>
    %dma_wait3A_273 = tpu.memref_squeeze %dma_wait3A_272 : memref<1x16384xf32, #tpu.memory_space<hbm>> -> memref<16384xf32, #tpu.memory_space<hbm>>
    tpu.wait_dma2 semaphore(%arg12 : memref<!tpu.dma_semaphore, #tpu.memory_space<semaphore_mem>>) src(%dma_wait3A_273 : memref<16384xf32, #tpu.memory_space<hbm>>) dst(%dma_wait3A_270 : memref<16384xf32, #tpu.memory_space<vmem>>)
    %parallel_loop3A_274 = arith.constant 128 : i32
    %parallel_loop3A_275 = arith.constant 256 : i32
    %parallel_loop3A_276 = arith.constant 1 : i32
    %parallel_loop3A_277:16 = scf.for %parallel_loop3A_461 = %parallel_loop3A_274 to %parallel_loop3A_275 step %parallel_loop3A_276 iter_args(%parallel_loop3A_462 = %parallel_loop3A_263#0, %parallel_loop3A_463 = %parallel_loop3A_263#1, %parallel_loop3A_464 = %parallel_loop3A_263#2, %parallel_loop3A_465 = %parallel_loop3A_263#3, %parallel_loop3A_466 = %parallel_loop3A_263#4, %parallel_loop3A_467 = %parallel_loop3A_263#5, %parallel_loop3A_468 = %parallel_loop3A_263#6, %parallel_loop3A_469 = %parallel_loop3A_263#7, %parallel_loop3A_470 = %parallel_loop3A_263#8, %parallel_loop3A_471 = %parallel_loop3A_263#9, %parallel_loop3A_472 = %parallel_loop3A_263#10, %parallel_loop3A_473 = %parallel_loop3A_263#11, %parallel_loop3A_474 = %parallel_loop3A_263#12, %parallel_loop3A_475 = %parallel_loop3A_263#13, %parallel_loop3A_476 = %parallel_loop3A_263#14, %parallel_loop3A_477 = %parallel_loop3A_263#15) -> (vector<16xf32>, vector<16xf32>, vector<16xf32>, vector<16xf32>, vector<16xf32>, vector<16xf32>, vector<16xf32>, vector<16xf32>, vector<16xi32>, vector<16xi32>, vector<16xi32>, vector<16xi32>, vector<16xi32>, vector<16xi32>, vector<16xi32>, vector<16xi32>)  : i32 {
      %parallel_loop3A_478 = arith.constant 128 : i32
      %parallel_loop3A_479 = arith.muli %parallel_loop3A_461, %parallel_loop3A_478 : i32
      %parallel_loop3A_480 = arith.constant 32768 : i32
      %parallel_loop3A_481 = arith.addi %parallel_loop3A_480, %parallel_loop3A_479 : i32
      %parallel_loop3A_482 = vector.broadcast %parallel_loop3A_461 : i32 to vector<16xi32>
      %parallel_loop3A_483 = arith.constant 0 : i32
      %parallel_loop3A_484 = arith.addi %parallel_loop3A_481, %parallel_loop3A_483 : i32
      %parallel_loop3A_485 = arith.index_cast %parallel_loop3A_484 : i32 to index
      %parallel_loop3A_486 = tpu.vector_load %arg4[%parallel_loop3A_485] {strides = array<i32>} : memref<65536xf32, #tpu.memory_space<vmem>>, vector<16xf32>,
      %parallel_loop3A_487 = vector.shape_cast %parallel_loop3A_486 : vector<16xf32> to vector<16xf32>
      %parallel_loop3A_488 = arith.constant 16 : i32
      %parallel_loop3A_489 = arith.addi %parallel_loop3A_481, %parallel_loop3A_488 : i32
      %parallel_loop3A_490 = arith.index_cast %parallel_loop3A_489 : i32 to index
      %parallel_loop3A_491 = tpu.vector_load %arg4[%parallel_loop3A_490] {strides = array<i32>} : memref<65536xf32, #tpu.memory_space<vmem>>, vector<16xf32>,
      %parallel_loop3A_492 = vector.shape_cast %parallel_loop3A_491 : vector<16xf32> to vector<16xf32>
      %parallel_loop3A_493 = arith.constant 32 : i32
      %parallel_loop3A_494 = arith.addi %parallel_loop3A_481, %parallel_loop3A_493 : i32
      %parallel_loop3A_495 = arith.index_cast %parallel_loop3A_494 : i32 to index
      %parallel_loop3A_496 = tpu.vector_load %arg4[%parallel_loop3A_495] {strides = array<i32>} : memref<65536xf32, #tpu.memory_space<vmem>>, vector<16xf32>,
      %parallel_loop3A_497 = vector.shape_cast %parallel_loop3A_496 : vector<16xf32> to vector<16xf32>
      %parallel_loop3A_498 = arith.constant 48 : i32
      %parallel_loop3A_499 = arith.addi %parallel_loop3A_481, %parallel_loop3A_498 : i32
      %parallel_loop3A_500 = arith.index_cast %parallel_loop3A_499 : i32 to index
      %parallel_loop3A_501 = tpu.vector_load %arg4[%parallel_loop3A_500] {strides = array<i32>} : memref<65536xf32, #tpu.memory_space<vmem>>, vector<16xf32>,
      %parallel_loop3A_502 = vector.shape_cast %parallel_loop3A_501 : vector<16xf32> to vector<16xf32>
      %parallel_loop3A_503 = arith.constant 64 : i32
      %parallel_loop3A_504 = arith.addi %parallel_loop3A_481, %parallel_loop3A_503 : i32
      %parallel_loop3A_505 = arith.index_cast %parallel_loop3A_504 : i32 to index
      %parallel_loop3A_506 = tpu.vector_load %arg4[%parallel_loop3A_505] {strides = array<i32>} : memref<65536xf32, #tpu.memory_space<vmem>>, vector<16xf32>,
      %parallel_loop3A_507 = vector.shape_cast %parallel_loop3A_506 : vector<16xf32> to vector<16xf32>
      %parallel_loop3A_508 = arith.constant 80 : i32
      %parallel_loop3A_509 = arith.addi %parallel_loop3A_481, %parallel_loop3A_508 : i32
      %parallel_loop3A_510 = arith.index_cast %parallel_loop3A_509 : i32 to index
      %parallel_loop3A_511 = tpu.vector_load %arg4[%parallel_loop3A_510] {strides = array<i32>} : memref<65536xf32, #tpu.memory_space<vmem>>, vector<16xf32>,
      %parallel_loop3A_512 = vector.shape_cast %parallel_loop3A_511 : vector<16xf32> to vector<16xf32>
      %parallel_loop3A_513 = arith.constant 96 : i32
      %parallel_loop3A_514 = arith.addi %parallel_loop3A_481, %parallel_loop3A_513 : i32
      %parallel_loop3A_515 = arith.index_cast %parallel_loop3A_514 : i32 to index
      %parallel_loop3A_516 = tpu.vector_load %arg4[%parallel_loop3A_515] {strides = array<i32>} : memref<65536xf32, #tpu.memory_space<vmem>>, vector<16xf32>,
      %parallel_loop3A_517 = vector.shape_cast %parallel_loop3A_516 : vector<16xf32> to vector<16xf32>
      %parallel_loop3A_518 = arith.constant 112 : i32
      %parallel_loop3A_519 = arith.addi %parallel_loop3A_481, %parallel_loop3A_518 : i32
      %parallel_loop3A_520 = arith.index_cast %parallel_loop3A_519 : i32 to index
      %parallel_loop3A_521 = tpu.vector_load %arg4[%parallel_loop3A_520] {strides = array<i32>} : memref<65536xf32, #tpu.memory_space<vmem>>, vector<16xf32>,
      %parallel_loop3A_522 = vector.shape_cast %parallel_loop3A_521 : vector<16xf32> to vector<16xf32>
      %parallel_loop3A_523 = arith.cmpf ogt, %parallel_loop3A_487, %parallel_loop3A_462 : vector<16xf32>
      %parallel_loop3A_524 = arith.cmpf ogt, %parallel_loop3A_492, %parallel_loop3A_463 : vector<16xf32>
      %parallel_loop3A_525 = arith.cmpf ogt, %parallel_loop3A_497, %parallel_loop3A_464 : vector<16xf32>
      %parallel_loop3A_526 = arith.cmpf ogt, %parallel_loop3A_502, %parallel_loop3A_465 : vector<16xf32>
      %parallel_loop3A_527 = arith.cmpf ogt, %parallel_loop3A_507, %parallel_loop3A_466 : vector<16xf32>
      %parallel_loop3A_528 = arith.cmpf ogt, %parallel_loop3A_512, %parallel_loop3A_467 : vector<16xf32>
      %parallel_loop3A_529 = arith.cmpf ogt, %parallel_loop3A_517, %parallel_loop3A_468 : vector<16xf32>
      %parallel_loop3A_530 = arith.cmpf ogt, %parallel_loop3A_522, %parallel_loop3A_469 : vector<16xf32>
      %parallel_loop3A_531 = arith.select %parallel_loop3A_523, %parallel_loop3A_487, %parallel_loop3A_462 : vector<16xi1>, vector<16xf32>
      %parallel_loop3A_532 = arith.select %parallel_loop3A_524, %parallel_loop3A_492, %parallel_loop3A_463 : vector<16xi1>, vector<16xf32>
      %parallel_loop3A_533 = arith.select %parallel_loop3A_525, %parallel_loop3A_497, %parallel_loop3A_464 : vector<16xi1>, vector<16xf32>
      %parallel_loop3A_534 = arith.select %parallel_loop3A_526, %parallel_loop3A_502, %parallel_loop3A_465 : vector<16xi1>, vector<16xf32>
      %parallel_loop3A_535 = arith.select %parallel_loop3A_527, %parallel_loop3A_507, %parallel_loop3A_466 : vector<16xi1>, vector<16xf32>
      %parallel_loop3A_536 = arith.select %parallel_loop3A_528, %parallel_loop3A_512, %parallel_loop3A_467 : vector<16xi1>, vector<16xf32>
      %parallel_loop3A_537 = arith.select %parallel_loop3A_529, %parallel_loop3A_517, %parallel_loop3A_468 : vector<16xi1>, vector<16xf32>
      %parallel_loop3A_538 = arith.select %parallel_loop3A_530, %parallel_loop3A_522, %parallel_loop3A_469 : vector<16xi1>, vector<16xf32>
      %parallel_loop3A_539 = arith.select %parallel_loop3A_523, %parallel_loop3A_482, %parallel_loop3A_470 : vector<16xi1>, vector<16xi32>
      %parallel_loop3A_540 = arith.select %parallel_loop3A_524, %parallel_loop3A_482, %parallel_loop3A_471 : vector<16xi1>, vector<16xi32>
      %parallel_loop3A_541 = arith.select %parallel_loop3A_525, %parallel_loop3A_482, %parallel_loop3A_472 : vector<16xi1>, vector<16xi32>
      %parallel_loop3A_542 = arith.select %parallel_loop3A_526, %parallel_loop3A_482, %parallel_loop3A_473 : vector<16xi1>, vector<16xi32>
      %parallel_loop3A_543 = arith.select %parallel_loop3A_527, %parallel_loop3A_482, %parallel_loop3A_474 : vector<16xi1>, vector<16xi32>
      %parallel_loop3A_544 = arith.select %parallel_loop3A_528, %parallel_loop3A_482, %parallel_loop3A_475 : vector<16xi1>, vector<16xi32>
      %parallel_loop3A_545 = arith.select %parallel_loop3A_529, %parallel_loop3A_482, %parallel_loop3A_476 : vector<16xi1>, vector<16xi32>
      %parallel_loop3A_546 = arith.select %parallel_loop3A_530, %parallel_loop3A_482, %parallel_loop3A_477 : vector<16xi1>, vector<16xi32>
      scf.yield %parallel_loop3A_531, %parallel_loop3A_532, %parallel_loop3A_533, %parallel_loop3A_534, %parallel_loop3A_535, %parallel_loop3A_536, %parallel_loop3A_537, %parallel_loop3A_538, %parallel_loop3A_539, %parallel_loop3A_540, %parallel_loop3A_541, %parallel_loop3A_542, %parallel_loop3A_543, %parallel_loop3A_544, %parallel_loop3A_545, %parallel_loop3A_546 : vector<16xf32>, vector<16xf32>, vector<16xf32>, vector<16xf32>, vector<16xf32>, vector<16xf32>, vector<16xf32>, vector<16xf32>, vector<16xi32>, vector<16xi32>, vector<16xi32>, vector<16xi32>, vector<16xi32>, vector<16xi32>, vector<16xi32>, vector<16xi32>
    } {sc.loop_unroll_factor = 4 : i64, sc.parallel_access}
    %iota3A_278 = tpu.iota {dimensions = array<i32: 0>} : vector<16xi32>
    %mul3A_279 = arith.constant 128 : i32
    %mul3A_280 = vector.broadcast %mul3A_279 : i32 to vector<16xi32>
    %mul3A_281 = arith.muli %parallel_loop3A_277#8, %mul3A_280 : vector<16xi32>
    %add3A_282 = arith.constant 0 : i32
    %add3A_283 = vector.broadcast %add3A_282 : i32 to vector<16xi32>
    %add3A_284 = arith.addi %add3A_283, %iota3A_278 : vector<16xi32>
    %add3A_285 = arith.addi %mul3A_281, %add3A_284 : vector<16xi32>
    %mul3A_286 = arith.constant 128 : i32
    %mul3A_287 = vector.broadcast %mul3A_286 : i32 to vector<16xi32>
    %mul3A_288 = arith.muli %parallel_loop3A_277#9, %mul3A_287 : vector<16xi32>
    %add3A_289 = arith.constant 16 : i32
    %add3A_290 = vector.broadcast %add3A_289 : i32 to vector<16xi32>
    %add3A_291 = arith.addi %add3A_290, %iota3A_278 : vector<16xi32>
    %add3A_292 = arith.addi %mul3A_288, %add3A_291 : vector<16xi32>
    %mul3A_293 = arith.constant 128 : i32
    %mul3A_294 = vector.broadcast %mul3A_293 : i32 to vector<16xi32>
    %mul3A_295 = arith.muli %parallel_loop3A_277#10, %mul3A_294 : vector<16xi32>
    %add3A_296 = arith.constant 32 : i32
    %add3A_297 = vector.broadcast %add3A_296 : i32 to vector<16xi32>
    %add3A_298 = arith.addi %add3A_297, %iota3A_278 : vector<16xi32>
    %add3A_299 = arith.addi %mul3A_295, %add3A_298 : vector<16xi32>
    %mul3A_300 = arith.constant 128 : i32
    %mul3A_301 = vector.broadcast %mul3A_300 : i32 to vector<16xi32>
    %mul3A_302 = arith.muli %parallel_loop3A_277#11, %mul3A_301 : vector<16xi32>
    %add3A_303 = arith.constant 48 : i32
    %add3A_304 = vector.broadcast %add3A_303 : i32 to vector<16xi32>
    %add3A_305 = arith.addi %add3A_304, %iota3A_278 : vector<16xi32>
    %add3A_306 = arith.addi %mul3A_302, %add3A_305 : vector<16xi32>
    %mul3A_307 = arith.constant 128 : i32
    %mul3A_308 = vector.broadcast %mul3A_307 : i32 to vector<16xi32>
    %mul3A_309 = arith.muli %parallel_loop3A_277#12, %mul3A_308 : vector<16xi32>
    %add3A_310 = arith.constant 64 : i32
    %add3A_311 = vector.broadcast %add3A_310 : i32 to vector<16xi32>
    %add3A_312 = arith.addi %add3A_311, %iota3A_278 : vector<16xi32>
    %add3A_313 = arith.addi %mul3A_309, %add3A_312 : vector<16xi32>
    %mul3A_314 = arith.constant 128 : i32
    %mul3A_315 = vector.broadcast %mul3A_314 : i32 to vector<16xi32>
    %mul3A_316 = arith.muli %parallel_loop3A_277#13, %mul3A_315 : vector<16xi32>
    %add3A_317 = arith.constant 80 : i32
    %add3A_318 = vector.broadcast %add3A_317 : i32 to vector<16xi32>
    %add3A_319 = arith.addi %add3A_318, %iota3A_278 : vector<16xi32>
    %add3A_320 = arith.addi %mul3A_316, %add3A_319 : vector<16xi32>
    %mul3A_321 = arith.constant 128 : i32
    %mul3A_322 = vector.broadcast %mul3A_321 : i32 to vector<16xi32>
    %mul3A_323 = arith.muli %parallel_loop3A_277#14, %mul3A_322 : vector<16xi32>
    %add3A_324 = arith.constant 96 : i32
    %add3A_325 = vector.broadcast %add3A_324 : i32 to vector<16xi32>
    %add3A_326 = arith.addi %add3A_325, %iota3A_278 : vector<16xi32>
    %add3A_327 = arith.addi %mul3A_323, %add3A_326 : vector<16xi32>
    %mul3A_328 = arith.constant 128 : i32
    %mul3A_329 = vector.broadcast %mul3A_328 : i32 to vector<16xi32>
    %mul3A_330 = arith.muli %parallel_loop3A_277#15, %mul3A_329 : vector<16xi32>
    %add3A_331 = arith.constant 112 : i32
    %add3A_332 = vector.broadcast %add3A_331 : i32 to vector<16xi32>
    %add3A_333 = arith.addi %add3A_332, %iota3A_278 : vector<16xi32>
    %add3A_334 = arith.addi %mul3A_330, %add3A_333 : vector<16xi32>
    %gt3A_335 = arith.cmpf ogt, %parallel_loop3A_277#1, %parallel_loop3A_277#0 : vector<16xf32>
    %eq3A_336 = arith.cmpf oeq, %parallel_loop3A_277#1, %parallel_loop3A_277#0 : vector<16xf32>
    %lt3A_337 = arith.cmpi slt, %add3A_292, %add3A_285 : vector<16xi32>
    %and3A_338 = arith.andi %eq3A_336, %lt3A_337 : vector<16xi1>
    %or3A_339 = arith.ori %gt3A_335, %and3A_338 : vector<16xi1>
    %select_n3A_340 = arith.select %or3A_339, %parallel_loop3A_277#1, %parallel_loop3A_277#0 : vector<16xi1>, vector<16xf32>
    %select_n3A_341 = arith.select %or3A_339, %add3A_292, %add3A_285 : vector<16xi1>, vector<16xi32>
    %gt3A_342 = arith.cmpf ogt, %parallel_loop3A_277#3, %parallel_loop3A_277#2 : vector<16xf32>
    %eq3A_343 = arith.cmpf oeq, %parallel_loop3A_277#3, %parallel_loop3A_277#2 : vector<16xf32>
    %lt3A_344 = arith.cmpi slt, %add3A_306, %add3A_299 : vector<16xi32>
    %and3A_345 = arith.andi %eq3A_343, %lt3A_344 : vector<16xi1>
    %or3A_346 = arith.ori %gt3A_342, %and3A_345 : vector<16xi1>
    %select_n3A_347 = arith.select %or3A_346, %parallel_loop3A_277#3, %parallel_loop3A_277#2 : vector<16xi1>, vector<16xf32>
    %select_n3A_348 = arith.select %or3A_346, %add3A_306, %add3A_299 : vector<16xi1>, vector<16xi32>
    %gt3A_349 = arith.cmpf ogt, %parallel_loop3A_277#5, %parallel_loop3A_277#4 : vector<16xf32>
    %eq3A_350 = arith.cmpf oeq, %parallel_loop3A_277#5, %parallel_loop3A_277#4 : vector<16xf32>
    %lt3A_351 = arith.cmpi slt, %add3A_320, %add3A_313 : vector<16xi32>
    %and3A_352 = arith.andi %eq3A_350, %lt3A_351 : vector<16xi1>
    %or3A_353 = arith.ori %gt3A_349, %and3A_352 : vector<16xi1>
    %select_n3A_354 = arith.select %or3A_353, %parallel_loop3A_277#5, %parallel_loop3A_277#4 : vector<16xi1>, vector<16xf32>
    %select_n3A_355 = arith.select %or3A_353, %add3A_320, %add3A_313 : vector<16xi1>, vector<16xi32>
    %gt3A_356 = arith.cmpf ogt, %parallel_loop3A_277#7, %parallel_loop3A_277#6 : vector<16xf32>
    %eq3A_357 = arith.cmpf oeq, %parallel_loop3A_277#7, %parallel_loop3A_277#6 : vector<16xf32>
    %lt3A_358 = arith.cmpi slt, %add3A_334, %add3A_327 : vector<16xi32>
    %and3A_359 = arith.andi %eq3A_357, %lt3A_358 : vector<16xi1>
    %or3A_360 = arith.ori %gt3A_356, %and3A_359 : vector<16xi1>
    %select_n3A_361 = arith.select %or3A_360, %parallel_loop3A_277#7, %parallel_loop3A_277#6 : vector<16xi1>, vector<16xf32>
    %select_n3A_362 = arith.select %or3A_360, %add3A_334, %add3A_327 : vector<16xi1>, vector<16xi32>
    %gt3A_363 = arith.cmpf ogt, %select_n3A_347, %select_n3A_340 : vector<16xf32>
    %eq3A_364 = arith.cmpf oeq, %select_n3A_347, %select_n3A_340 : vector<16xf32>
    %lt3A_365 = arith.cmpi slt, %select_n3A_348, %select_n3A_341 : vector<16xi32>
    %and3A_366 = arith.andi %eq3A_364, %lt3A_365 : vector<16xi1>
    %or3A_367 = arith.ori %gt3A_363, %and3A_366 : vector<16xi1>
    %select_n3A_368 = arith.select %or3A_367, %select_n3A_347, %select_n3A_340 : vector<16xi1>, vector<16xf32>
    %select_n3A_369 = arith.select %or3A_367, %select_n3A_348, %select_n3A_341 : vector<16xi1>, vector<16xi32>
    %gt3A_370 = arith.cmpf ogt, %select_n3A_361, %select_n3A_354 : vector<16xf32>
    %eq3A_371 = arith.cmpf oeq, %select_n3A_361, %select_n3A_354 : vector<16xf32>
    %lt3A_372 = arith.cmpi slt, %select_n3A_362, %select_n3A_355 : vector<16xi32>
    %and3A_373 = arith.andi %eq3A_371, %lt3A_372 : vector<16xi1>
    %or3A_374 = arith.ori %gt3A_370, %and3A_373 : vector<16xi1>
    %select_n3A_375 = arith.select %or3A_374, %select_n3A_361, %select_n3A_354 : vector<16xi1>, vector<16xf32>
    %select_n3A_376 = arith.select %or3A_374, %select_n3A_362, %select_n3A_355 : vector<16xi1>, vector<16xi32>
    %gt3A_377 = arith.cmpf ogt, %select_n3A_375, %select_n3A_368 : vector<16xf32>
    %eq3A_378 = arith.cmpf oeq, %select_n3A_375, %select_n3A_368 : vector<16xf32>
    %lt3A_379 = arith.cmpi slt, %select_n3A_376, %select_n3A_369 : vector<16xi32>
    %and3A_380 = arith.andi %eq3A_378, %lt3A_379 : vector<16xi1>
    %or3A_381 = arith.ori %gt3A_377, %and3A_380 : vector<16xi1>
    %select_n3A_382 = arith.select %or3A_381, %select_n3A_375, %select_n3A_368 : vector<16xi1>, vector<16xf32>
    %select_n3A_383 = arith.select %or3A_381, %select_n3A_376, %select_n3A_369 : vector<16xi1>, vector<16xi32>
    %xor3A_384 = arith.constant 1 : i32
    %xor3A_385 = vector.broadcast %xor3A_384 : i32 to vector<16xi32>
    %xor3A_386 = arith.xori %iota3A_278, %xor3A_385 : vector<16xi32>
    %broadcast_in_dim3A_387 = vector.shape_cast %xor3A_386 : vector<16xi32> to vector<16x1xi32>
    %gather3A_388 = vector.shape_cast %broadcast_in_dim3A_387 : vector<16x1xi32> to vector<16xi32>
    %gather3A_389 = tpu.dynamic_gather %select_n3A_382[%gather3A_388] in [0] : vector<16xf32>, vector<16xi32> -> vector<16xf32>
    %broadcast_in_dim3A_390 = vector.shape_cast %xor3A_386 : vector<16xi32> to vector<16x1xi32>
    %gather3A_391 = vector.shape_cast %broadcast_in_dim3A_390 : vector<16x1xi32> to vector<16xi32>
    %gather3A_392 = tpu.dynamic_gather %select_n3A_383[%gather3A_391] in [0] : vector<16xi32>, vector<16xi32> -> vector<16xi32>
    %gt3A_393 = arith.cmpf ogt, %gather3A_389, %select_n3A_382 : vector<16xf32>
    %eq3A_394 = arith.cmpf oeq, %gather3A_389, %select_n3A_382 : vector<16xf32>
    %lt3A_395 = arith.cmpi slt, %gather3A_392, %select_n3A_383 : vector<16xi32>
    %and3A_396 = arith.andi %eq3A_394, %lt3A_395 : vector<16xi1>
    %or3A_397 = arith.ori %gt3A_393, %and3A_396 : vector<16xi1>
    %select_n3A_398 = arith.select %or3A_397, %gather3A_389, %select_n3A_382 : vector<16xi1>, vector<16xf32>
    %select_n3A_399 = arith.select %or3A_397, %gather3A_392, %select_n3A_383 : vector<16xi1>, vector<16xi32>
    %xor3A_400 = arith.constant 2 : i32
    %xor3A_401 = vector.broadcast %xor3A_400 : i32 to vector<16xi32>
    %xor3A_402 = arith.xori %iota3A_278, %xor3A_401 : vector<16xi32>
    %broadcast_in_dim3A_403 = vector.shape_cast %xor3A_402 : vector<16xi32> to vector<16x1xi32>
    %gather3A_404 = vector.shape_cast %broadcast_in_dim3A_403 : vector<16x1xi32> to vector<16xi32>
    %gather3A_405 = tpu.dynamic_gather %select_n3A_398[%gather3A_404] in [0] : vector<16xf32>, vector<16xi32> -> vector<16xf32>
    %broadcast_in_dim3A_406 = vector.shape_cast %xor3A_402 : vector<16xi32> to vector<16x1xi32>
    %gather3A_407 = vector.shape_cast %broadcast_in_dim3A_406 : vector<16x1xi32> to vector<16xi32>
    %gather3A_408 = tpu.dynamic_gather %select_n3A_399[%gather3A_407] in [0] : vector<16xi32>, vector<16xi32> -> vector<16xi32>
    %gt3A_409 = arith.cmpf ogt, %gather3A_405, %select_n3A_398 : vector<16xf32>
    %eq3A_410 = arith.cmpf oeq, %gather3A_405, %select_n3A_398 : vector<16xf32>
    %lt3A_411 = arith.cmpi slt, %gather3A_408, %select_n3A_399 : vector<16xi32>
    %and3A_412 = arith.andi %eq3A_410, %lt3A_411 : vector<16xi1>
    %or3A_413 = arith.ori %gt3A_409, %and3A_412 : vector<16xi1>
    %select_n3A_414 = arith.select %or3A_413, %gather3A_405, %select_n3A_398 : vector<16xi1>, vector<16xf32>
    %select_n3A_415 = arith.select %or3A_413, %gather3A_408, %select_n3A_399 : vector<16xi1>, vector<16xi32>
    %xor3A_416 = arith.constant 4 : i32
    %xor3A_417 = vector.broadcast %xor3A_416 : i32 to vector<16xi32>
    %xor3A_418 = arith.xori %iota3A_278, %xor3A_417 : vector<16xi32>
    %broadcast_in_dim3A_419 = vector.shape_cast %xor3A_418 : vector<16xi32> to vector<16x1xi32>
    %gather3A_420 = vector.shape_cast %broadcast_in_dim3A_419 : vector<16x1xi32> to vector<16xi32>
    %gather3A_421 = tpu.dynamic_gather %select_n3A_414[%gather3A_420] in [0] : vector<16xf32>, vector<16xi32> -> vector<16xf32>
    %broadcast_in_dim3A_422 = vector.shape_cast %xor3A_418 : vector<16xi32> to vector<16x1xi32>
    %gather3A_423 = vector.shape_cast %broadcast_in_dim3A_422 : vector<16x1xi32> to vector<16xi32>
    %gather3A_424 = tpu.dynamic_gather %select_n3A_415[%gather3A_423] in [0] : vector<16xi32>, vector<16xi32> -> vector<16xi32>
    %gt3A_425 = arith.cmpf ogt, %gather3A_421, %select_n3A_414 : vector<16xf32>
    %eq3A_426 = arith.cmpf oeq, %gather3A_421, %select_n3A_414 : vector<16xf32>
    %lt3A_427 = arith.cmpi slt, %gather3A_424, %select_n3A_415 : vector<16xi32>
    %and3A_428 = arith.andi %eq3A_426, %lt3A_427 : vector<16xi1>
    %or3A_429 = arith.ori %gt3A_425, %and3A_428 : vector<16xi1>
    %select_n3A_430 = arith.select %or3A_429, %gather3A_421, %select_n3A_414 : vector<16xi1>, vector<16xf32>
    %select_n3A_431 = arith.select %or3A_429, %gather3A_424, %select_n3A_415 : vector<16xi1>, vector<16xi32>
    %xor3A_432 = arith.constant 8 : i32
    %xor3A_433 = vector.broadcast %xor3A_432 : i32 to vector<16xi32>
    %xor3A_434 = arith.xori %iota3A_278, %xor3A_433 : vector<16xi32>
    %broadcast_in_dim3A_435 = vector.shape_cast %xor3A_434 : vector<16xi32> to vector<16x1xi32>
    %gather3A_436 = vector.shape_cast %broadcast_in_dim3A_435 : vector<16x1xi32> to vector<16xi32>
    %gather3A_437 = tpu.dynamic_gather %select_n3A_430[%gather3A_436] in [0] : vector<16xf32>, vector<16xi32> -> vector<16xf32>
    %broadcast_in_dim3A_438 = vector.shape_cast %xor3A_434 : vector<16xi32> to vector<16x1xi32>
    %gather3A_439 = vector.shape_cast %broadcast_in_dim3A_438 : vector<16x1xi32> to vector<16xi32>
    %gather3A_440 = tpu.dynamic_gather %select_n3A_431[%gather3A_439] in [0] : vector<16xi32>, vector<16xi32> -> vector<16xi32>
    %gt3A_441 = arith.cmpf ogt, %gather3A_437, %select_n3A_430 : vector<16xf32>
    %eq3A_442 = arith.cmpf oeq, %gather3A_437, %select_n3A_430 : vector<16xf32>
    %lt3A_443 = arith.cmpi slt, %gather3A_440, %select_n3A_431 : vector<16xi32>
    %and3A_444 = arith.andi %eq3A_442, %lt3A_443 : vector<16xi1>
    %or3A_445 = arith.ori %gt3A_441, %and3A_444 : vector<16xi1>
    %select_n3A_446 = arith.select %or3A_445, %gather3A_437, %select_n3A_430 : vector<16xi1>, vector<16xf32>
    %select_n3A_447 = arith.select %or3A_445, %gather3A_440, %select_n3A_431 : vector<16xi1>, vector<16xi32>
    %swap3A_448 = arith.constant 0 : index
    %swap3A_449 = tpu.vector_load %arg5[%swap3A_448] {strides = array<i32>} : memref<16xi32, #tpu.memory_space<vmem>>, vector<16xi32>,
    %swap3A_450 = vector.shape_cast %swap3A_449 : vector<16xi32> to vector<16xi32>
    %swap3A_451 = vector.shape_cast %select_n3A_447 : vector<16xi32> to vector<16xi32>
    tpu.vector_store %arg5[%swap3A_448], %swap3A_451 {strides = array<i32>} : memref<16xi32, #tpu.memory_space<vmem>>, vector<16xi32>,
    %mul3A_452 = arith.constant 2 : i32
    %mul3A_453 = arith.muli %arg1, %mul3A_452 : i32
    %add3A_454 = arith.constant 1 : i32
    %add3A_455 = arith.addi %mul3A_453, %add3A_454 : i32
    %mul3A_456 = arith.constant 16 : i32
    %mul3A_457 = arith.muli %add3A_455, %mul3A_456 : i32
    "tpu.region"() ({
      %run_scoped3A = tpu.sem_alloc : memref<!tpu.dma_semaphore, #tpu.memory_space<semaphore_mem>>
      %dma_start3A_461 = tpu.memref_slice %arg8[%mul3A_457] : memref<512xi32, #tpu.memory_space<vmem_shared>> -> memref<16xi32, #tpu.memory_space<vmem_shared>>
      %dma_start3A_462 = tpu.memref_slice %arg8[%mul3A_457] : memref<512xi32, #tpu.memory_space<vmem_shared>> -> memref<16xi32, #tpu.memory_space<vmem_shared>>
      tpu.enqueue_dma source(%arg5 : memref<16xi32, #tpu.memory_space<vmem>>) target(%dma_start3A_462 : memref<16xi32, #tpu.memory_space<vmem_shared>>) target_semaphore(%run_scoped3A : memref<!tpu.dma_semaphore, #tpu.memory_space<semaphore_mem>>)
      %dma_wait3A_463 = tpu.memref_slice %arg8[%mul3A_457] : memref<512xi32, #tpu.memory_space<vmem_shared>> -> memref<16xi32, #tpu.memory_space<vmem_shared>>
      %dma_wait3A_464 = tpu.memref_slice %arg8[%mul3A_457] : memref<512xi32, #tpu.memory_space<vmem_shared>> -> memref<16xi32, #tpu.memory_space<vmem_shared>>
      tpu.wait_dma2 semaphore(%run_scoped3A : memref<!tpu.dma_semaphore, #tpu.memory_space<semaphore_mem>>) src(%arg5 : memref<16xi32, #tpu.memory_space<vmem>>) dst(%dma_wait3A_464 : memref<16xi32, #tpu.memory_space<vmem_shared>>)
      tpu.yield
    }) : () -> ()
    %barrier3A = arith.constant 0 : index
    tpu.barrier barrier_id(%barrier3A)
    %eq3A_458 = arith.constant 0 : i32
    %eq3A_459 = arith.cmpi eq, %arg1, %eq3A_458 : i32
    %convert_element_type3A = arith.extui %eq3A_459 : i1 to i32
    %cond3A = arith.constant 0 : i32
    %cond3A_460 = arith.cmpi ne, %convert_element_type3A, %cond3A : i32
    scf.if %cond3A_460 {
      "tpu.region"() ({
        %run_scoped3A = tpu.sem_alloc : memref<!tpu.dma_semaphore, #tpu.memory_space<semaphore_mem>>
        tpu.enqueue_dma source(%arg8 : memref<512xi32, #tpu.memory_space<vmem_shared>>) target(%arg6 : memref<512xi32, #tpu.memory_space<vmem>>) target_semaphore(%run_scoped3A : memref<!tpu.dma_semaphore, #tpu.memory_space<semaphore_mem>>)
        tpu.wait_dma2 semaphore(%run_scoped3A : memref<!tpu.dma_semaphore, #tpu.memory_space<semaphore_mem>>) src(%arg8 : memref<512xi32, #tpu.memory_space<vmem_shared>>) dst(%arg6 : memref<512xi32, #tpu.memory_space<vmem>>)
        tpu.yield
      }) : () -> ()
      %broadcast_in_dim3A_461 = arith.constant 0 : i32
      %broadcast_in_dim3A_462 = vector.broadcast %broadcast_in_dim3A_461 : i32 to vector<16xi32>
      %get3A = arith.constant 0 : index
      %get3A_463 = tpu.vector_load %arg6[%get3A] {strides = array<i32>} : memref<512xi32, #tpu.memory_space<vmem>>, vector<16xi32>,
      %get3A_464 = vector.shape_cast %get3A_463 : vector<16xi32> to vector<16xi32>
      %eq3A_465 = arith.constant 0 : i32
      %eq3A_466 = vector.broadcast %eq3A_465 : i32 to vector<16xi32>
      %eq3A_467 = arith.cmpi eq, %iota3A, %eq3A_466 : vector<16xi32>
      %select_n3A_468 = arith.select %eq3A_467, %get3A_464, %broadcast_in_dim3A_462 : vector<16xi1>, vector<16xi32>
      %get3A_469 = arith.constant 16 : index
      %get3A_470 = tpu.vector_load %arg6[%get3A_469] {strides = array<i32>} : memref<512xi32, #tpu.memory_space<vmem>>, vector<16xi32>,
      %get3A_471 = vector.shape_cast %get3A_470 : vector<16xi32> to vector<16xi32>
      %eq3A_472 = arith.constant 1 : i32
      %eq3A_473 = vector.broadcast %eq3A_472 : i32 to vector<16xi32>
      %eq3A_474 = arith.cmpi eq, %iota3A, %eq3A_473 : vector<16xi32>
      %select_n3A_475 = arith.select %eq3A_474, %get3A_471, %select_n3A_468 : vector<16xi1>, vector<16xi32>
      %get3A_476 = arith.constant 32 : index
      %get3A_477 = tpu.vector_load %arg6[%get3A_476] {strides = array<i32>} : memref<512xi32, #tpu.memory_space<vmem>>, vector<16xi32>,
      %get3A_478 = vector.shape_cast %get3A_477 : vector<16xi32> to vector<16xi32>
      %eq3A_479 = arith.constant 2 : i32
      %eq3A_480 = vector.broadcast %eq3A_479 : i32 to vector<16xi32>
      %eq3A_481 = arith.cmpi eq, %iota3A, %eq3A_480 : vector<16xi32>
      %select_n3A_482 = arith.select %eq3A_481, %get3A_478, %select_n3A_475 : vector<16xi1>, vector<16xi32>
      %get3A_483 = arith.constant 48 : index
      %get3A_484 = tpu.vector_load %arg6[%get3A_483] {strides = array<i32>} : memref<512xi32, #tpu.memory_space<vmem>>, vector<16xi32>,
      %get3A_485 = vector.shape_cast %get3A_484 : vector<16xi32> to vector<16xi32>
      %eq3A_486 = arith.constant 3 : i32
      %eq3A_487 = vector.broadcast %eq3A_486 : i32 to vector<16xi32>
      %eq3A_488 = arith.cmpi eq, %iota3A, %eq3A_487 : vector<16xi32>
      %select_n3A_489 = arith.select %eq3A_488, %get3A_485, %select_n3A_482 : vector<16xi1>, vector<16xi32>
      %get3A_490 = arith.constant 64 : index
      %get3A_491 = tpu.vector_load %arg6[%get3A_490] {strides = array<i32>} : memref<512xi32, #tpu.memory_space<vmem>>, vector<16xi32>,
      %get3A_492 = vector.shape_cast %get3A_491 : vector<16xi32> to vector<16xi32>
      %eq3A_493 = arith.constant 4 : i32
      %eq3A_494 = vector.broadcast %eq3A_493 : i32 to vector<16xi32>
      %eq3A_495 = arith.cmpi eq, %iota3A, %eq3A_494 : vector<16xi32>
      %select_n3A_496 = arith.select %eq3A_495, %get3A_492, %select_n3A_489 : vector<16xi1>, vector<16xi32>
      %get3A_497 = arith.constant 80 : index
      %get3A_498 = tpu.vector_load %arg6[%get3A_497] {strides = array<i32>} : memref<512xi32, #tpu.memory_space<vmem>>, vector<16xi32>,
      %get3A_499 = vector.shape_cast %get3A_498 : vector<16xi32> to vector<16xi32>
      %eq3A_500 = arith.constant 5 : i32
      %eq3A_501 = vector.broadcast %eq3A_500 : i32 to vector<16xi32>
      %eq3A_502 = arith.cmpi eq, %iota3A, %eq3A_501 : vector<16xi32>
      %select_n3A_503 = arith.select %eq3A_502, %get3A_499, %select_n3A_496 : vector<16xi1>, vector<16xi32>
      %get3A_504 = arith.constant 96 : index
      %get3A_505 = tpu.vector_load %arg6[%get3A_504] {strides = array<i32>} : memref<512xi32, #tpu.memory_space<vmem>>, vector<16xi32>,
      %get3A_506 = vector.shape_cast %get3A_505 : vector<16xi32> to vector<16xi32>
      %eq3A_507 = arith.constant 6 : i32
      %eq3A_508 = vector.broadcast %eq3A_507 : i32 to vector<16xi32>
      %eq3A_509 = arith.cmpi eq, %iota3A, %eq3A_508 : vector<16xi32>
      %select_n3A_510 = arith.select %eq3A_509, %get3A_506, %select_n3A_503 : vector<16xi1>, vector<16xi32>
      %get3A_511 = arith.constant 112 : index
      %get3A_512 = tpu.vector_load %arg6[%get3A_511] {strides = array<i32>} : memref<512xi32, #tpu.memory_space<vmem>>, vector<16xi32>,
      %get3A_513 = vector.shape_cast %get3A_512 : vector<16xi32> to vector<16xi32>
      %eq3A_514 = arith.constant 7 : i32
      %eq3A_515 = vector.broadcast %eq3A_514 : i32 to vector<16xi32>
      %eq3A_516 = arith.cmpi eq, %iota3A, %eq3A_515 : vector<16xi32>
      %select_n3A_517 = arith.select %eq3A_516, %get3A_513, %select_n3A_510 : vector<16xi1>, vector<16xi32>
      %get3A_518 = arith.constant 128 : index
      %get3A_519 = tpu.vector_load %arg6[%get3A_518] {strides = array<i32>} : memref<512xi32, #tpu.memory_space<vmem>>, vector<16xi32>,
      %get3A_520 = vector.shape_cast %get3A_519 : vector<16xi32> to vector<16xi32>
      %eq3A_521 = arith.constant 8 : i32
      %eq3A_522 = vector.broadcast %eq3A_521 : i32 to vector<16xi32>
      %eq3A_523 = arith.cmpi eq, %iota3A, %eq3A_522 : vector<16xi32>
      %select_n3A_524 = arith.select %eq3A_523, %get3A_520, %select_n3A_517 : vector<16xi1>, vector<16xi32>
      %get3A_525 = arith.constant 144 : index
      %get3A_526 = tpu.vector_load %arg6[%get3A_525] {strides = array<i32>} : memref<512xi32, #tpu.memory_space<vmem>>, vector<16xi32>,
      %get3A_527 = vector.shape_cast %get3A_526 : vector<16xi32> to vector<16xi32>
      %eq3A_528 = arith.constant 9 : i32
      %eq3A_529 = vector.broadcast %eq3A_528 : i32 to vector<16xi32>
      %eq3A_530 = arith.cmpi eq, %iota3A, %eq3A_529 : vector<16xi32>
      %select_n3A_531 = arith.select %eq3A_530, %get3A_527, %select_n3A_524 : vector<16xi1>, vector<16xi32>
      %get3A_532 = arith.constant 160 : index
      %get3A_533 = tpu.vector_load %arg6[%get3A_532] {strides = array<i32>} : memref<512xi32, #tpu.memory_space<vmem>>, vector<16xi32>,
      %get3A_534 = vector.shape_cast %get3A_533 : vector<16xi32> to vector<16xi32>
      %eq3A_535 = arith.constant 10 : i32
      %eq3A_536 = vector.broadcast %eq3A_535 : i32 to vector<16xi32>
      %eq3A_537 = arith.cmpi eq, %iota3A, %eq3A_536 : vector<16xi32>
      %select_n3A_538 = arith.select %eq3A_537, %get3A_534, %select_n3A_531 : vector<16xi1>, vector<16xi32>
      %get3A_539 = arith.constant 176 : index
      %get3A_540 = tpu.vector_load %arg6[%get3A_539] {strides = array<i32>} : memref<512xi32, #tpu.memory_space<vmem>>, vector<16xi32>,
      %get3A_541 = vector.shape_cast %get3A_540 : vector<16xi32> to vector<16xi32>
      %eq3A_542 = arith.constant 11 : i32
      %eq3A_543 = vector.broadcast %eq3A_542 : i32 to vector<16xi32>
      %eq3A_544 = arith.cmpi eq, %iota3A, %eq3A_543 : vector<16xi32>
      %select_n3A_545 = arith.select %eq3A_544, %get3A_541, %select_n3A_538 : vector<16xi1>, vector<16xi32>
      %get3A_546 = arith.constant 192 : index
      %get3A_547 = tpu.vector_load %arg6[%get3A_546] {strides = array<i32>} : memref<512xi32, #tpu.memory_space<vmem>>, vector<16xi32>,
      %get3A_548 = vector.shape_cast %get3A_547 : vector<16xi32> to vector<16xi32>
      %eq3A_549 = arith.constant 12 : i32
      %eq3A_550 = vector.broadcast %eq3A_549 : i32 to vector<16xi32>
      %eq3A_551 = arith.cmpi eq, %iota3A, %eq3A_550 : vector<16xi32>
      %select_n3A_552 = arith.select %eq3A_551, %get3A_548, %select_n3A_545 : vector<16xi1>, vector<16xi32>
      %get3A_553 = arith.constant 208 : index
      %get3A_554 = tpu.vector_load %arg6[%get3A_553] {strides = array<i32>} : memref<512xi32, #tpu.memory_space<vmem>>, vector<16xi32>,
      %get3A_555 = vector.shape_cast %get3A_554 : vector<16xi32> to vector<16xi32>
      %eq3A_556 = arith.constant 13 : i32
      %eq3A_557 = vector.broadcast %eq3A_556 : i32 to vector<16xi32>
      %eq3A_558 = arith.cmpi eq, %iota3A, %eq3A_557 : vector<16xi32>
      %select_n3A_559 = arith.select %eq3A_558, %get3A_555, %select_n3A_552 : vector<16xi1>, vector<16xi32>
      %get3A_560 = arith.constant 224 : index
      %get3A_561 = tpu.vector_load %arg6[%get3A_560] {strides = array<i32>} : memref<512xi32, #tpu.memory_space<vmem>>, vector<16xi32>,
      %get3A_562 = vector.shape_cast %get3A_561 : vector<16xi32> to vector<16xi32>
      %eq3A_563 = arith.constant 14 : i32
      %eq3A_564 = vector.broadcast %eq3A_563 : i32 to vector<16xi32>
      %eq3A_565 = arith.cmpi eq, %iota3A, %eq3A_564 : vector<16xi32>
      %select_n3A_566 = arith.select %eq3A_565, %get3A_562, %select_n3A_559 : vector<16xi1>, vector<16xi32>
      %get3A_567 = arith.constant 240 : index
      %get3A_568 = tpu.vector_load %arg6[%get3A_567] {strides = array<i32>} : memref<512xi32, #tpu.memory_space<vmem>>, vector<16xi32>,
      %get3A_569 = vector.shape_cast %get3A_568 : vector<16xi32> to vector<16xi32>
      %eq3A_570 = arith.constant 15 : i32
      %eq3A_571 = vector.broadcast %eq3A_570 : i32 to vector<16xi32>
      %eq3A_572 = arith.cmpi eq, %iota3A, %eq3A_571 : vector<16xi32>
      %select_n3A_573 = arith.select %eq3A_572, %get3A_569, %select_n3A_566 : vector<16xi1>, vector<16xi32>
      %swap3A_574 = arith.constant 0 : index
      %swap3A_575 = tpu.vector_load %arg7[%swap3A_574] {strides = array<i32>} : memref<32xi32, #tpu.memory_space<vmem>>, vector<16xi32>,
      %swap3A_576 = vector.shape_cast %swap3A_575 : vector<16xi32> to vector<16xi32>
      %swap3A_577 = vector.shape_cast %select_n3A_573 : vector<16xi32> to vector<16xi32>
      tpu.vector_store %arg7[%swap3A_574], %swap3A_577 {strides = array<i32>} : memref<32xi32, #tpu.memory_space<vmem>>, vector<16xi32>,
      %broadcast_in_dim3A_578 = arith.constant 0 : i32
      %broadcast_in_dim3A_579 = vector.broadcast %broadcast_in_dim3A_578 : i32 to vector<16xi32>
      %get3A_580 = arith.constant 256 : index
      %get3A_581 = tpu.vector_load %arg6[%get3A_580] {strides = array<i32>} : memref<512xi32, #tpu.memory_space<vmem>>, vector<16xi32>,
      %get3A_582 = vector.shape_cast %get3A_581 : vector<16xi32> to vector<16xi32>
      %eq3A_583 = arith.constant 0 : i32
      %eq3A_584 = vector.broadcast %eq3A_583 : i32 to vector<16xi32>
      %eq3A_585 = arith.cmpi eq, %iota3A, %eq3A_584 : vector<16xi32>
      %select_n3A_586 = arith.select %eq3A_585, %get3A_582, %broadcast_in_dim3A_579 : vector<16xi1>, vector<16xi32>
      %get3A_587 = arith.constant 272 : index
      %get3A_588 = tpu.vector_load %arg6[%get3A_587] {strides = array<i32>} : memref<512xi32, #tpu.memory_space<vmem>>, vector<16xi32>,
      %get3A_589 = vector.shape_cast %get3A_588 : vector<16xi32> to vector<16xi32>
      %eq3A_590 = arith.constant 1 : i32
      %eq3A_591 = vector.broadcast %eq3A_590 : i32 to vector<16xi32>
      %eq3A_592 = arith.cmpi eq, %iota3A, %eq3A_591 : vector<16xi32>
      %select_n3A_593 = arith.select %eq3A_592, %get3A_589, %select_n3A_586 : vector<16xi1>, vector<16xi32>
      %get3A_594 = arith.constant 288 : index
      %get3A_595 = tpu.vector_load %arg6[%get3A_594] {strides = array<i32>} : memref<512xi32, #tpu.memory_space<vmem>>, vector<16xi32>,
      %get3A_596 = vector.shape_cast %get3A_595 : vector<16xi32> to vector<16xi32>
      %eq3A_597 = arith.constant 2 : i32
      %eq3A_598 = vector.broadcast %eq3A_597 : i32 to vector<16xi32>
      %eq3A_599 = arith.cmpi eq, %iota3A, %eq3A_598 : vector<16xi32>
      %select_n3A_600 = arith.select %eq3A_599, %get3A_596, %select_n3A_593 : vector<16xi1>, vector<16xi32>
      %get3A_601 = arith.constant 304 : index
      %get3A_602 = tpu.vector_load %arg6[%get3A_601] {strides = array<i32>} : memref<512xi32, #tpu.memory_space<vmem>>, vector<16xi32>,
      %get3A_603 = vector.shape_cast %get3A_602 : vector<16xi32> to vector<16xi32>
      %eq3A_604 = arith.constant 3 : i32
      %eq3A_605 = vector.broadcast %eq3A_604 : i32 to vector<16xi32>
      %eq3A_606 = arith.cmpi eq, %iota3A, %eq3A_605 : vector<16xi32>
      %select_n3A_607 = arith.select %eq3A_606, %get3A_603, %select_n3A_600 : vector<16xi1>, vector<16xi32>
      %get3A_608 = arith.constant 320 : index
      %get3A_609 = tpu.vector_load %arg6[%get3A_608] {strides = array<i32>} : memref<512xi32, #tpu.memory_space<vmem>>, vector<16xi32>,
      %get3A_610 = vector.shape_cast %get3A_609 : vector<16xi32> to vector<16xi32>
      %eq3A_611 = arith.constant 4 : i32
      %eq3A_612 = vector.broadcast %eq3A_611 : i32 to vector<16xi32>
      %eq3A_613 = arith.cmpi eq, %iota3A, %eq3A_612 : vector<16xi32>
      %select_n3A_614 = arith.select %eq3A_613, %get3A_610, %select_n3A_607 : vector<16xi1>, vector<16xi32>
      %get3A_615 = arith.constant 336 : index
      %get3A_616 = tpu.vector_load %arg6[%get3A_615] {strides = array<i32>} : memref<512xi32, #tpu.memory_space<vmem>>, vector<16xi32>,
      %get3A_617 = vector.shape_cast %get3A_616 : vector<16xi32> to vector<16xi32>
      %eq3A_618 = arith.constant 5 : i32
      %eq3A_619 = vector.broadcast %eq3A_618 : i32 to vector<16xi32>
      %eq3A_620 = arith.cmpi eq, %iota3A, %eq3A_619 : vector<16xi32>
      %select_n3A_621 = arith.select %eq3A_620, %get3A_617, %select_n3A_614 : vector<16xi1>, vector<16xi32>
      %get3A_622 = arith.constant 352 : index
      %get3A_623 = tpu.vector_load %arg6[%get3A_622] {strides = array<i32>} : memref<512xi32, #tpu.memory_space<vmem>>, vector<16xi32>,
      %get3A_624 = vector.shape_cast %get3A_623 : vector<16xi32> to vector<16xi32>
      %eq3A_625 = arith.constant 6 : i32
      %eq3A_626 = vector.broadcast %eq3A_625 : i32 to vector<16xi32>
      %eq3A_627 = arith.cmpi eq, %iota3A, %eq3A_626 : vector<16xi32>
      %select_n3A_628 = arith.select %eq3A_627, %get3A_624, %select_n3A_621 : vector<16xi1>, vector<16xi32>
      %get3A_629 = arith.constant 368 : index
      %get3A_630 = tpu.vector_load %arg6[%get3A_629] {strides = array<i32>} : memref<512xi32, #tpu.memory_space<vmem>>, vector<16xi32>,
      %get3A_631 = vector.shape_cast %get3A_630 : vector<16xi32> to vector<16xi32>
      %eq3A_632 = arith.constant 7 : i32
      %eq3A_633 = vector.broadcast %eq3A_632 : i32 to vector<16xi32>
      %eq3A_634 = arith.cmpi eq, %iota3A, %eq3A_633 : vector<16xi32>
      %select_n3A_635 = arith.select %eq3A_634, %get3A_631, %select_n3A_628 : vector<16xi1>, vector<16xi32>
      %get3A_636 = arith.constant 384 : index
      %get3A_637 = tpu.vector_load %arg6[%get3A_636] {strides = array<i32>} : memref<512xi32, #tpu.memory_space<vmem>>, vector<16xi32>,
      %get3A_638 = vector.shape_cast %get3A_637 : vector<16xi32> to vector<16xi32>
      %eq3A_639 = arith.constant 8 : i32
      %eq3A_640 = vector.broadcast %eq3A_639 : i32 to vector<16xi32>
      %eq3A_641 = arith.cmpi eq, %iota3A, %eq3A_640 : vector<16xi32>
      %select_n3A_642 = arith.select %eq3A_641, %get3A_638, %select_n3A_635 : vector<16xi1>, vector<16xi32>
      %get3A_643 = arith.constant 400 : index
      %get3A_644 = tpu.vector_load %arg6[%get3A_643] {strides = array<i32>} : memref<512xi32, #tpu.memory_space<vmem>>, vector<16xi32>,
      %get3A_645 = vector.shape_cast %get3A_644 : vector<16xi32> to vector<16xi32>
      %eq3A_646 = arith.constant 9 : i32
      %eq3A_647 = vector.broadcast %eq3A_646 : i32 to vector<16xi32>
      %eq3A_648 = arith.cmpi eq, %iota3A, %eq3A_647 : vector<16xi32>
      %select_n3A_649 = arith.select %eq3A_648, %get3A_645, %select_n3A_642 : vector<16xi1>, vector<16xi32>
      %get3A_650 = arith.constant 416 : index
      %get3A_651 = tpu.vector_load %arg6[%get3A_650] {strides = array<i32>} : memref<512xi32, #tpu.memory_space<vmem>>, vector<16xi32>,
      %get3A_652 = vector.shape_cast %get3A_651 : vector<16xi32> to vector<16xi32>
      %eq3A_653 = arith.constant 10 : i32
      %eq3A_654 = vector.broadcast %eq3A_653 : i32 to vector<16xi32>
      %eq3A_655 = arith.cmpi eq, %iota3A, %eq3A_654 : vector<16xi32>
      %select_n3A_656 = arith.select %eq3A_655, %get3A_652, %select_n3A_649 : vector<16xi1>, vector<16xi32>
      %get3A_657 = arith.constant 432 : index
      %get3A_658 = tpu.vector_load %arg6[%get3A_657] {strides = array<i32>} : memref<512xi32, #tpu.memory_space<vmem>>, vector<16xi32>,
      %get3A_659 = vector.shape_cast %get3A_658 : vector<16xi32> to vector<16xi32>
      %eq3A_660 = arith.constant 11 : i32
      %eq3A_661 = vector.broadcast %eq3A_660 : i32 to vector<16xi32>
      %eq3A_662 = arith.cmpi eq, %iota3A, %eq3A_661 : vector<16xi32>
      %select_n3A_663 = arith.select %eq3A_662, %get3A_659, %select_n3A_656 : vector<16xi1>, vector<16xi32>
      %get3A_664 = arith.constant 448 : index
      %get3A_665 = tpu.vector_load %arg6[%get3A_664] {strides = array<i32>} : memref<512xi32, #tpu.memory_space<vmem>>, vector<16xi32>,
      %get3A_666 = vector.shape_cast %get3A_665 : vector<16xi32> to vector<16xi32>
      %eq3A_667 = arith.constant 12 : i32
      %eq3A_668 = vector.broadcast %eq3A_667 : i32 to vector<16xi32>
      %eq3A_669 = arith.cmpi eq, %iota3A, %eq3A_668 : vector<16xi32>
      %select_n3A_670 = arith.select %eq3A_669, %get3A_666, %select_n3A_663 : vector<16xi1>, vector<16xi32>
      %get3A_671 = arith.constant 464 : index
      %get3A_672 = tpu.vector_load %arg6[%get3A_671] {strides = array<i32>} : memref<512xi32, #tpu.memory_space<vmem>>, vector<16xi32>,
      %get3A_673 = vector.shape_cast %get3A_672 : vector<16xi32> to vector<16xi32>
      %eq3A_674 = arith.constant 13 : i32
      %eq3A_675 = vector.broadcast %eq3A_674 : i32 to vector<16xi32>
      %eq3A_676 = arith.cmpi eq, %iota3A, %eq3A_675 : vector<16xi32>
      %select_n3A_677 = arith.select %eq3A_676, %get3A_673, %select_n3A_670 : vector<16xi1>, vector<16xi32>
      %get3A_678 = arith.constant 480 : index
      %get3A_679 = tpu.vector_load %arg6[%get3A_678] {strides = array<i32>} : memref<512xi32, #tpu.memory_space<vmem>>, vector<16xi32>,
      %get3A_680 = vector.shape_cast %get3A_679 : vector<16xi32> to vector<16xi32>
      %eq3A_681 = arith.constant 14 : i32
      %eq3A_682 = vector.broadcast %eq3A_681 : i32 to vector<16xi32>
      %eq3A_683 = arith.cmpi eq, %iota3A, %eq3A_682 : vector<16xi32>
      %select_n3A_684 = arith.select %eq3A_683, %get3A_680, %select_n3A_677 : vector<16xi1>, vector<16xi32>
      %get3A_685 = arith.constant 496 : index
      %get3A_686 = tpu.vector_load %arg6[%get3A_685] {strides = array<i32>} : memref<512xi32, #tpu.memory_space<vmem>>, vector<16xi32>,
      %get3A_687 = vector.shape_cast %get3A_686 : vector<16xi32> to vector<16xi32>
      %eq3A_688 = arith.constant 15 : i32
      %eq3A_689 = vector.broadcast %eq3A_688 : i32 to vector<16xi32>
      %eq3A_690 = arith.cmpi eq, %iota3A, %eq3A_689 : vector<16xi32>
      %select_n3A_691 = arith.select %eq3A_690, %get3A_687, %select_n3A_684 : vector<16xi1>, vector<16xi32>
      %swap3A_692 = arith.constant 16 : index
      %swap3A_693 = tpu.vector_load %arg7[%swap3A_692] {strides = array<i32>} : memref<32xi32, #tpu.memory_space<vmem>>, vector<16xi32>,
      %swap3A_694 = vector.shape_cast %swap3A_693 : vector<16xi32> to vector<16xi32>
      %swap3A_695 = vector.shape_cast %select_n3A_691 : vector<16xi32> to vector<16xi32>
      tpu.vector_store %arg7[%swap3A_692], %swap3A_695 {strides = array<i32>} : memref<32xi32, #tpu.memory_space<vmem>>, vector<16xi32>,
      %mul3A_696 = arith.constant 32 : i32
      %mul3A_697 = arith.muli %arg0, %mul3A_696 : i32
      "tpu.region"() ({
        %run_scoped3A = tpu.sem_alloc : memref<!tpu.dma_semaphore, #tpu.memory_space<semaphore_mem>>
        %dma_start3A_698 = tpu.memref_slice %arg3[%mul3A_697] : memref<64xi32, #tpu.memory_space<hbm>> -> memref<32xi32, #tpu.memory_space<hbm>>
        %dma_start3A_699 = tpu.memref_slice %arg3[%mul3A_697] : memref<64xi32, #tpu.memory_space<hbm>> -> memref<32xi32, #tpu.memory_space<hbm>>
        tpu.enqueue_dma source(%arg7 : memref<32xi32, #tpu.memory_space<vmem>>) target(%dma_start3A_699 : memref<32xi32, #tpu.memory_space<hbm>>) target_semaphore(%run_scoped3A : memref<!tpu.dma_semaphore, #tpu.memory_space<semaphore_mem>>)
        %dma_wait3A_700 = tpu.memref_slice %arg3[%mul3A_697] : memref<64xi32, #tpu.memory_space<hbm>> -> memref<32xi32, #tpu.memory_space<hbm>>
        %dma_wait3A_701 = tpu.memref_slice %arg3[%mul3A_697] : memref<64xi32, #tpu.memory_space<hbm>> -> memref<32xi32, #tpu.memory_space<hbm>>
        tpu.wait_dma2 semaphore(%run_scoped3A : memref<!tpu.dma_semaphore, #tpu.memory_space<semaphore_mem>>) src(%arg7 : memref<32xi32, #tpu.memory_space<vmem>>) dst(%dma_wait3A_701 : memref<32xi32, #tpu.memory_space<hbm>>)
        tpu.yield
      }) : () -> ()
    } else {
    }
    return
  }
}

</mosaic_0001>

<sc_bundles>
// kernel: kernel.3.cloned.1.call-start
scs
__scs_entry_jumppad:
0x0: {  	(pc) =	sbr.rel $0x88, $3  }
0x1: {  	(tag) =	ssettag $0x0;
	lr =	simm.s32 $0x1  }
0x2: {  	[smem:$0x3FA0] =	sst lr;
	_ =	strace $0xD0000000  }
0x3: {  	_ = 	snop  }
0x4: {  	_ = 	snop  }
0x5: {  	_ = 	snop  }
0x6: {  	_ = 	snop  }
0x7: {  	_ = 	snop  }
__scs_overlays_trampoline_lowered:
0x8: {  	[smem:$0x3FAF] =	sst s0  }
0x9: {  	[smem:$0x3FB0] =	sst s1  }
0xa: {  	[smem:$0x3FB1] =	sst s2  }
0xb: {  	[smem:$0x3FB2] =	sst s3  }
0xc: {  	[smem:$0x3FB3] =	sst s4  }
0xd: {  	[smem:$0x3FB4] =	sst s5  }
0xe: {  	[smem:$0x3FB5] =	sst s6  }
0xf: {  	[smem:$0x3FB6] =	sst s7  }
0x10: {  	[smem:$0x3FB7] =	sst s8  }
0x11: {  	[smem:$0x3FB8] =	sst s9;
	s0 =	simm.s32 @!p0 $0x0  }
0x12: {  	s1 =	sld [smem:$0x3F9E];
	s0 =	simm.s32 @p0 $0x1  }
0x13: {  	[smem:$0x3FB9] =	sst s0;
	s0 =	simm.s32 @!p1 $0x0  }
0x14: {  	s2 =	sld [smem:$0x3F9D];
	s0 =	simm.s32 @p1 $0x1  }
0x15: {  	[smem:$0x3FBA] =	sst s0;
	s0 =	simm.s32 @!p2 $0x0  }
0x16: {  	s3 =	sld [smem:$0x3FDB];
	s0 =	simm.s32 @p2 $0x1  }
0x17: {  	s4 =	simm.s32 $0x1BF5;
	[smem:$0x3FBC] =	sst s0  }
0x18: {  	s0 =	sld [smem:$0x3F9F];
	_ =	swait.ge [sflag:s4], $0x0  }
0x19: {  	s7 =	sld [smem:$0x3FA0]  }
0x1a: {  	s8 =	sadd.s32 $0xFFFFE003, lr  }
0x1b: {  	s9 =	sadd.s32 $0xFFFFFEF7, lr;
	s5 =	simm.s32 $0xFFFFFFFF;
	p2 =	slt.u32 s8, $0xFFFFF086  }
0x1c: {  	p1 =	slt.u32 s9, $0xF7A;
	s5 =	simm.s32 @!p2 $0x0  }
0x1d: {  	s5 =	simm.s32 @p1 $0x1;
	p0 =	seq.s32 s7, s2  }
0x1e: {  	s7 =	smul.u32 @!p0 $0xF7A, s2;
	p2 =	seq.s32 @!p0 s5, $0x0  }
0x1f: {  	s9 =	smul.u32 $0xF7A, s1;
	s8 =	simm.s32 @!p0 $0x1BF5;
	p2 =	por !p2, p0  }
0x20: {  	[sflag:s8] =	ssyncset.s32 @!p0 $0xFFFFF086;
	s6 =	sadd.s32 @!p0 s3, s7;
	s7 =	simm.s32 @!p0 $0x108  }
0x21: {  	s3 =	sadd.s32 s3, s9;
	s6 =	sadd.s32 @!p0 $0x88, s6;
	s7 =	simm.s32 @p2 $0x1082  }
0x22: {  	[simem:s7], [sflag:s8] =	dma.local @!p0 [hbm:s6], $0xF7A  }
0x23: {  	s9 =	sor.u32 $0xD0000000, s2;
	s6 =	simm.s32 $0x108;
	_ =	swait.ge @!p0 [sflag:s8], $0x0  }
0x24: {  	s3 =	sadd.s32 $0x88, s3;
	s6 =	simm.s32 @!p1 $0x1082;
	[sflag:s4] =	ssyncset.s32 $0xFFFFF086  }
0x25: {  	[simem:s6], [sflag:s4] =	dma.local [hbm:s3], $0xF7A  }
0x26: {  	[smem:$0x3FA0] =	sst s1;
	(tag) =	ssettag s2;
	_ =	strace s9  }
0x27: {  	s1 =	sld [smem:$0x3FB0]  }
0x28: {  	s2 =	sld [smem:$0x3FB1]  }
0x29: {  	s4 =	sld [smem:$0x3FB3]  }
0x2a: {  	p0 =	seq.s32 s5, $0x0;
	s5 =	sld [smem:$0x3FB4]  }
0x2b: {  	s6 =	sld [smem:$0x3FB5]  }
0x2c: {  	s7 =	sld [smem:$0x3FB6]  }
0x2d: {  	s3 =	simm.s32 $0x108;
	s8 =	sld [smem:$0x3FB7]  }
0x2e: {  	s3 =	simm.s32 @!p0 $0x1082;
	s9 =	sld [smem:$0x3FB8]  }
0x2f: {  	lr =	sadd.s32 s0, s3;
	s0 =	sld [smem:$0x3FAF]  }
0x30: {  	s3 =	sld [smem:$0x3FB2]  }
0x31: {  	[smem:$0x3FBB] =	sst s10  }
0x32: {  	s10 =	sld [smem:$0x3FB9];
	_ =	sdelay $0x3  }
0x33: {  	p0 =	seq.s32 s10, $0x1;
	s10 =	sld [smem:$0x3FBB];
	_ =	sdelay $0x3  }
0x34: {  	[smem:$0x3FBB] =	sst s10  }
0x35: {  	s10 =	sld [smem:$0x3FBA];
	_ =	sdelay $0x3  }
0x36: {  	p1 =	seq.s32 s10, $0x1;
	s10 =	sld [smem:$0x3FBB];
	_ =	sdelay $0x3  }
0x37: {  	[smem:$0x3FBB] =	sst s10  }
0x38: {  	s10 =	sld [smem:$0x3FBC]  }
0x39: {  	_ = 	snop;
	(pc) =	sbr.ind lr, $3  }
0x3a: {  	_ = 	snop  }
0x3b: {  	_ = 	snop  }
0x3c: {  	p2 =	seq.s32 s10, $0x1;
	s10 =	sld [smem:$0x3FBB]  }
0x3d: {  	_ =	shalt  }
0x3e: {  	_ =	shalt  }
0x3f: {  	_ =	shalt  }
0x40: {  	_ =	shalt  }
0x41: {  	_ =	shalt  }
0x42: {  	_ =	shalt  }
0x43: {  	_ =	shalt  }
0x44: {  	_ =	shalt  }
0x45: {  	_ =	shalt  }
0x46: {  	_ =	shalt  }
0x47: {  	_ =	shalt  }
0x48: {  	_ =	shalt  }
0x49: {  	_ =	shalt  }
0x4a: {  	_ =	shalt  }
0x4b: {  	_ =	shalt  }
0x4c: {  	_ =	shalt  }
0x4d: {  	_ =	shalt  }
0x4e: {  	_ =	shalt  }
0x4f: {  	_ =	shalt  }
0x50: {  	_ =	shalt  }
0x51: {  	_ =	shalt  }
0x52: {  	_ =	shalt  }
0x53: {  	_ =	shalt  }
0x54: {  	_ =	shalt  }
0x55: {  	_ =	shalt  }
0x56: {  	_ =	shalt  }
0x57: {  	_ =	shalt  }
0x58: {  	_ =	shalt  }
0x59: {  	_ =	shalt  }
0x5a: {  	_ =	shalt  }
0x5b: {  	_ =	shalt  }
0x5c: {  	_ =	shalt  }
0x5d: {  	_ =	shalt  }
0x5e: {  	_ =	shalt  }
0x5f: {  	_ =	shalt  }
0x60: {  	_ =	shalt  }
0x61: {  	_ =	shalt  }
0x62: {  	_ =	shalt  }
0x63: {  	_ =	shalt  }
0x64: {  	_ =	shalt  }
0x65: {  	_ =	shalt  }
0x66: {  	_ =	shalt  }
0x67: {  	_ =	shalt  }
0x68: {  	_ =	shalt  }
0x69: {  	_ =	shalt  }
0x6a: {  	_ =	shalt  }
0x6b: {  	_ =	shalt  }
0x6c: {  	_ =	shalt  }
0x6d: {  	_ =	shalt  }
0x6e: {  	_ =	shalt  }
0x6f: {  	_ =	shalt  }
0x70: {  	_ =	shalt  }
0x71: {  	_ =	shalt  }
0x72: {  	_ =	shalt  }
0x73: {  	_ =	shalt  }
0x74: {  	_ =	shalt  }
0x75: {  	_ =	shalt  }
0x76: {  	_ =	shalt  }
0x77: {  	_ =	shalt  }
0x78: {  	_ =	shalt  }
0x79: {  	_ =	shalt  }
0x7a: {  	_ =	shalt  }
0x7b: {  	_ =	shalt  }
0x7c: {  	_ =	shalt  }
0x7d: {  	_ =	shalt  }
0x7e: {  	_ =	shalt  }
0x7f: {  	_ =	shalt  }
0x80: {  	_ =	shalt  }
0x81: {  	_ =	shalt  }
0x82: {  	_ =	shalt  }
0x83: {  	_ =	shalt  }
0x84: {  	_ =	shalt  }
0x85: {  	_ =	shalt  }
0x86: {  	_ =	shalt  }
0x87: {  	_ =	shalt  }
.Lfunc_end0:
.L_simem_size_0:
called_computation_lowered:
.L_overlay_start_0:
0x88: {  	s2 =	sld [smem:$0x3FD9]  }
0x89: {  	s3 =	sld [smem:$0x3FFE];
	_ =	sdelay $0x1  }
0x8a: {  	s1 =	srdreg.scid  }
0x8b: {  	s0 =	sand.u32 $0x1, s1  }
0x8c: {  	s18 =	sshll.u32 s0, $0xA;
	s2 =	sadd.s32 s3, s2  }
0x8d: {  	s2 =	sadd.s32 s2, s18  }
0x8e: {  	[smem:$0x3FC7] =	sst s2  }
0x8f: {  	_ = 	snop  }
0x90: {  	s2 =	sld [smem:$0x3FC9]  }
0x91: {  	s19 =	sld [smem:$0x3FD0];
	(tm) =	ssettm $0x1  }
0x92: {  	s4 =	sld [smem:$0x3FFB];
	_ =	sdelay $0x3  }
0x93: {  	_ =	strace s4  }
0x94: {  	s4 =	sld [smem:$0x3FFC];
	_ =	sdelay $0x3  }
0x95: {  	_ =	strace s4  }
0x96: {  	s4 =	sld [smem:$0x3FFD];
	_ =	sdelay $0x3  }
0x97: {  	_ =	strace s4  }
0x98: {  	_ =	strace $0x8FFFFFFF  }
0x99: {  	s20 =	sld [smem:$0x3FDB];
	_ =	sdelay $0x1  }
0x9a: {  	s5 =	simm.s32 $_scs_section_size  }
0x9b: {  	s6 =	simm.s32 $_size__tile_overlayer_lowered;
	s7 =	simm.s32 $_tile_overlayer_lowered  }
0x9c: {  	s23 =	simm.s32 $0x1BFF;
	s22 =	sshll.u32 s7, $0x1;
	s4 =	sadd.s32 s5, s20  }
0x9d: {  	s8 =	simm.s32 $0x0;
	s21 =	sshll.u32 s6, $0x1;
	s6 =	sadd.s32 s22, s4  }
0x9e: {  	[timem:s8], [sflag:s23] =	dma.local [hbm:s6], s21  }
0x9f: {  	_ =	swait.ge [sflag:s23], s21  }
0xa0: {  	s5 =	ssub.s32 $0x0, s21;
	[sflag:s23] =	ssyncset.done $0x0  }
0xa1: {  	[sflag:s23] =	ssyncadd.s32 s5;
	_ =	sdelay $0x1  }
0xa2: {  	s24 =	simm.s32 $0x1B8B  }
0xa3: {  	_ =	swait.ge [sflag:s24], $0x1  }
0xa4: {  	[sflag:s24] =	ssyncset.done $0x0  }
0xa5: {  	s25 =	simm.s32 $0x1B8E;
	[sflag:s24] =	ssyncadd.s32 $0xFFFFFFFF  }
0xa6: {  	s26 =	simm.s32 $execute0_lowered;
	[smem:$0x3FD2] =	sst s25  }
0xa7: {  	s5 =	sshll.u32 s26, $0x1;
	_ =	strace $0x80000046;
	[dreg:$0x1] =	wrdreg $0xFFFFFFFF  }
0xa8: {  	s28 =	simm.s32 $_size_execute0_lowered;
	s4 =	sadd.s32 s4, s5;
	[dreg:$0x0] =	wrdreg $0x0  }
0xa9: {  	s5 =	sshll.u32 s28, $0x1;
	[dreg:$0x2] =	wrdreg s4  }
0xaa: {  	[dreg:$0x3] =	wrdreg s5  }
0xab: {  	[dreg:$0x4] =	wrdreg $0xC0  }
0xac: {  	_ =	task [dreg:s8], $0x5FFFF  }
0xad: {  	[dreg:$0x1] =	wrdreg $0xFFFFFFFF  }
0xae: {  	[dreg:$0x0] =	wrdreg $0x60  }
0xaf: {  	[dreg:$0x2] =	wrdreg s2  }
0xb0: {  	[dreg:$0x3] =	wrdreg s19  }
0xb1: {  	[dreg:$0x4] =	wrdreg $0x103000  }
0xb2: {  	[dreg:$0x5] =	wrdreg $0x9  }
0xb3: {  	_ =	task.clear_ibuf [dreg:s8], $0x6FFFF;
	_ =	strace $0x90000046  }
0xb4: {  	s29 =	simm.s32 $0x9;
	_ =	strace $0x80000048  }
0xb5: {  	_ =	swait.ge [sflag:s29], $0x1  }
0xb6: {  	[sflag:s29] =	ssyncadd.s32 $0xFFFFFFFF  }
0xb7: {  	_ =	strace $0x90000048  }
0xb8: {  	_ =	sfence  }
0xb9: {  	s30 =	sld [smem:$0x0];
	_ =	sdelay $0x2  }
0xba: {  	s31 =	sshll.u32 s1, $0xD;
	s1 =	sshrl.u32 s1, $0x2  }
0xbb: {  	s3 =	sand.u32 $0x4000, s31;
	s1 =	sadd.s32 s1, s30  }
0xbc: {  	s0 =	sor.u32 s3, s0;
	s1 =	sshll.u32 s1, $0x11  }
0xbd: {  	s0 =	sor.u32 s1, s0  }
0xbe: {  	s0 =	sadd.s32 $0x8F2B, s0  }
0xbf: {  	[sflag:s0] =	ssyncadd.remote.s32 $0x1  }
0xc0: {  	_ =	sfence.sel $0xFFFF  }
0xc1: {  	[dreg:$0x0] =	wrdreg $0xFFFFFFFF;
	(pc) =	sbr.abs _section_cstart, $3  }
0xc2: {  	[dreg:$0x1] =	wrdreg $0xFFFFFFFF  }
0xc3: {  	_ =	task.clear_ibuf [dreg:s8], $0x2FFFF;
	_ =	strace $0x9FFFFFFF  }
0xc4: {  	(tm) =	ssettm $0x7FFFFFFF  }
0xc5: {  	_ =	shalt  }
tec
execute0_lowered:
.L_overlay_start_1:
0x0: {  	(tag) =	ssettag $0x1  }
0x1: {  	s5 =	rddreg [dreg:$0x0]  }
0x2: {  	s9 =	rddreg [dreg:$0x1]  }
0x3: {  	s1 =	rddreg [dreg:$0x2]  }
0x4: {  	s0 =	rddreg [dreg:$0x3];
	s2 =	simm.s32 $0x0  }
0x5: {  	s3 =	srdreg.scid;
	s22 =	stileid.u32;
	s12 =	simm.s32 $0x400  }
0x6: {  	s13 =	simm.s32 $0x4000;
	s14 =	simm.s32 $0x8000;
	s15 =	simm.s32 $0xC000  }
0x7: {  	v0 =	vimm.s32 $0xEFCDAB89;
	v1 =	vimm.s32 $0x67452301;
	s16 =	simm.s32 $0x1;
	s17 =	simm.s32 $0x2;
	s18 =	simm.s32 $0x10000  }
0x8: {  	v2 =	vimm.s32 $0xDCFE98BA;
	v3 =	vimm.s32 $0x54761032;
	v4 =	vimm.s32 $0xBA98FEDC;
	s19 =	simm.s32 $0x5;
	s20 =	simm.s32 $0x3;
	s21 =	simm.s32 $0x4  }
0x9: {  	v5 =	vimm.s32 $0x32107654;
	v6 =	vimm.s32 $0xFEDCBA98;
	s23 =	simm.s32 $0x10280;
	s24 =	simm.s32 $0x0;
	[smem:$0x7FF] =	sst s2  }
0xa: {  	v7 =	vimm.s32 $0x76543210;
	s8 =	sand.u32 $0x1, s3;
	s28 =	sshll.u32 s22, $0xD;
	s7 =	sshll.u32 s22, $0x5;
	v0 =	vunpack.c.l.s4.s8 v0;
	v1 =	vunpack.c.l.s4.s8 v1  }
0xb: {  	v2 =	vunpack.c.l.s4.s8 v2;
	s30 =	sadd.s32 $0x4000, s5;
	v3 =	vunpack.c.l.s4.s8 v3;
	v4 =	vunpack.c.l.s4.s8 v4;
	p0 =	sne.s32 s22, $0x0;
	s22 =	simm.s32 $0x10080  }
0xc: {  	v5 =	vunpack.c.l.s4.s8 v5;
	v6 =	vunpack.c.l.s4.s8 v6;
	v7 =	vunpack.c.l.s4.s8 v7;
	s4 =	sshll.u32 s8, $0x11;
	s3 =	sand.u32 $0x18000, s28;
	s6 =	ssub.s32 $0x2, s8  }
0xd: {  	s29 =	sand.u32 $0x60, s7;
	_ =	strace $0x80000047;
	s7 =	sadd.s32 s7, s1;
	v0 =	vunpack.c.0.s8.s32 v0;
	v1 =	vunpack.c.0.s8.s32 v1;
	v2 =	vunpack.c.0.s8.s32 v2  }
.Ltmp0:
0xe: {  	s31 =	sshll.u32 s8, $0x2;
	s3 =	sor.u32 s4, s3;
	v3 =	vunpack.c.0.s8.s32 v3;
	v4 =	vunpack.c.0.s8.s32 v4;
	v5 =	vunpack.c.0.s8.s32 v5;
	(pc) =	sbr.rel .LBB2_1-.Ltmp0, $4  }
0xf: {  	s10 =	sshrl.u32 s6, $0x1;
	s8 =	sadd.s32 $0x10, s7;
	v6 =	vunpack.c.0.s8.s32 v6;
	s4 =	sor.u32 s29, s3;
	v1 =	vcombine.low v1, v0  }
0x10: {  	s9 =	sadd.s32 s9, s31;
	s10 =	ssub.s32 s6, s10;
	s11 =	sor.u32 $0x10, s4;
	v2 =	vcombine.low v3, v2;
	v3 =	vcombine.low v5, v4;
	v4 =	vunpack.c.0.s8.s32 v7  }
0x11: {  	s3 =	sadd.s32 s5, s4;
	s4 =	sadd.s32 s4, s30;
	s10 =	smax.u32 s10, $0x1;
	v0 =	vlaneseq.u32;
	v5 =	vand.u32 $0xF, v6;
	v1 =	vand.u32 $0xF, v1  }
0x12: {  	s5 =	sadd.s32 s5, s11;
	s6 =	sadd.s32 s11, s30;
	s11 =	simm.s32 $0x80;
	v2 =	vand.u32 $0xF, v2;
	v3 =	vand.u32 $0xF, v3;
	v4 =	vcombine.low v5, v4  }
.LBB2_11:
0x13: {  	s24 =	sadd.s32 $0x1, s24  }
0x14: {  	p1 =	sne.s32 s24, s10  }
.Ltmp1:
0x15: {  	_ = 	snop;
	(pc) =	sbr.rel @!p1 .LBB2_12-.Ltmp1, $1  }
0x16: {  	_ =	sdelay $0x3  }
.LBB2_1:
0x17: {  	[tilespmem:s2], [sflag:$0x1] =	stream.strided.gather [hbm4b:s3+s11], $0x4000, s12, s11, $0x38;
	[tilespmem:$0x10320] =	vst v63  }
0x18: {  	_ = 	snop  }
0x19: {  	[tilespmem:s13], [sflag:$0x2] =	stream.strided.gather [hbm4b:s4+s11], $0x4000, s12, s11, $0x38;
	[tilespmem:$0x10320] =	vst v63  }
0x1a: {  	_ = 	snop  }
0x1b: {  	[tilespmem:s14], [sflag:$0x3] =	stream.strided.gather [hbm4b:s5+s11], $0x4000, s12, s11, $0x38;
	[tilespmem:$0x10320] =	vst v63  }
0x1c: {  	_ = 	snop  }
0x1d: {  	[tilespmem:s15], [sflag:$0x4] =	stream.strided.gather [hbm4b:s6+s11], $0x4000, s12, s11, $0x38;
	[tilespmem:$0x10320] =	vst v63  }
0x1e: {  	_ =	swait.ge [sflag:s16], $0x4000  }
0x1f: {  	[sflag:s16] =	ssyncset.done $0x0  }
0x20: {  	s25 =	simm.s32 $0x40;
	[sflag:s16] =	ssyncadd.s32 $0xFFFFC000  }
0x21: {  	v7 =	vld [tilespmem:s25+$0xFFFFFFC0]  }
0x22: {  	v9 =	vld [tilespmem:s25+$0xFFFFFFD0]  }
0x23: {  	v11 =	vld [tilespmem:s25+$0xFFFFFFE0]  }
0x24: {  	v12 =	vld [tilespmem:s25+$0xFFFFFFF0]  }
0x25: {  	v13 =	vld [tilespmem:s25+$0x0]  }
0x26: {  	v15 =	vld [tilespmem:s25+$0x10]  }
0x27: {  	v16 =	vld [tilespmem:s25+$0x20];
	_ =	sdelay $0x1  }
0x28: {  	v17 =	vimm.f32 $-Inf;
	s26 =	simm.s32 $0xC0;
	v18 =	vld [tilespmem:s25+$0x30]  }
0x29: {  	v5 =	vimm.s32 $0x0;
	v27 =	vld [tilespmem:s26+$0xFFFFFFC0];
	vm0 =	vgt.f32 v7, v17;
	vm1 =	vgt.f32 v9, v17  }
0x2a: {  	v6 =	vld [tilespmem:s26+$0xFFFFFFD0];
	vm2 =	vgt.f32 v11, v17;
	vm3 =	vgt.f32 v12, v17;
	vm4 =	vgt.f32 v13, v17  }
0x2b: {  	v28 =	vld [tilespmem:s26+$0xFFFFFFE0];
	vm5 =	vgt.f32 v15, v17;
	vm6 =	vgt.f32 v16, v17;
	v8 =	vsel vm0, v7, v17  }
0x2c: {  	v21 =	vld [tilespmem:s26+$0x0];
	v9 =	vsel vm1, v9, v17;
	v10 =	vsel vm0, s2, v5;
	v11 =	vsel vm2, v11, v17  }
0x2d: {  	v14 =	vld [tilespmem:s26+$0x10];
	v12 =	vsel vm3, v12, v17;
	v13 =	vsel vm4, v13, v17;
	vm0 =	vgt.f32 v18, v17  }
0x2e: {  	v7 =	vld [tilespmem:s26+$0xFFFFFFF0];
	v15 =	vsel vm5, v15, v17;
	v16 =	vsel vm6, v16, v17;
	v19 =	vsel vm2, s2, v5  }
0x2f: {  	s28 =	simm.s32 $0x140;
	v25 =	vld [tilespmem:s26+$0x20];
	v20 =	vsel vm3, s2, v5;
	v22 =	vsel vm4, s2, v5;
	v23 =	vsel vm5, s2, v5  }
0x30: {  	s29 =	simm.s32 $0x2;
	s25 =	simm.s32 $0x1;
	v26 =	vld [tilespmem:s26+$0x30];
	v24 =	vsel vm6, s2, v5;
	s26 =	simm.s32 $0x0;
	v17 =	vsel vm0, v18, v17;
	v18 =	vsel vm1, s2, v5  }
.LBB2_2:
0x31: {  	v29 =	vld [tilespmem:s28+$0xFFFFFFC0];
	p1 =	sne.s32 s29, $0x7F;
	vm1 =	vgt.f32 v27, v8;
	vm2 =	vgt.f32 v6, v9;
	v5 =	vsel vm0, s26, v5;
	s26 =	smov.u32 s25;
	s25 =	smov.u32 s29  }
0x32: {  	v8 =	vsel vm1, v27, v8;
	v9 =	vsel vm2, v6, v9;
	v6 =	vld [tilespmem:s28+$0xFFFFFFD0];
	v10 =	vsel vm1, s26, v10  }
0x33: {  	vm3 =	vgt.f32 v7, v12;
	vm1 =	vgt.f32 v28, v11;
	vm4 =	vgt.f32 v21, v13;
	v30 =	vld [tilespmem:s28+$0xFFFFFFE0]  }
.Ltmp2:
0x34: {  	v12 =	vsel vm3, v7, v12;
	v11 =	vsel vm1, v28, v11;
	v13 =	vsel vm4, v21, v13;
	v7 =	vld [tilespmem:s28+$0xFFFFFFF0];
	(pc) =	sbr.rel @p1 .LBB2_2-.Ltmp2, $4  }
0x35: {  	vm5 =	vgt.f32 v14, v15;
	vm6 =	vgt.f32 v25, v16;
	v21 =	vld [tilespmem:s28+$0x0];
	vm0 =	vgt.f32 v26, v17  }
0x36: {  	v15 =	vsel vm5, v14, v15;
	v16 =	vsel vm6, v25, v16;
	v14 =	vld [tilespmem:s28+$0x10];
	v17 =	vsel vm0, v26, v17;
	v27 =	vmovc v29  }
0x37: {  	v18 =	vsel vm2, s26, v18;
	v20 =	vsel vm3, s26, v20;
	v19 =	vsel vm1, s26, v19;
	v25 =	vld [tilespmem:s28+$0x20]  }
0x38: {  	s29 =	sadd.s32 $0x1, s29;
	v22 =	vsel vm4, s26, v22;
	v23 =	vsel vm5, s26, v23;
	v24 =	vsel vm6, s26, v24;
	v26 =	vld [tilespmem:s28+$0x30];
	s28 =	sadd.s32 $0x80, s28;
	v28 =	vmovc v30  }
0x39: {  	_ =	swait.ge [sflag:s17], $0x4000  }
0x3a: {  	[sflag:s17] =	ssyncset.done $0x0  }
0x3b: {  	s28 =	simm.s32 $0x0;
	[sflag:s17] =	ssyncadd.s32 $0xFFFFC000  }
0x3c: {  	v30 =	vld [tilespmem:s28+$0x4000]  }
0x3d: {  	vm1 =	vgt.f32 v27, v8;
	vm2 =	vgt.f32 v6, v9;
	v29 =	vsel vm0, s26, v5;
	v34 =	vld [tilespmem:s28+$0x4010]  }
0x3e: {  	vm0 =	vgt.f32 v28, v11;
	v31 =	vsel vm1, v27, v8;
	v32 =	vsel vm2, v6, v9;
	v35 =	vld [tilespmem:s28+$0x4020]  }
0x3f: {  	v33 =	vsel vm1, s25, v10;
	vm1 =	vgt.f32 v7, v12;
	vm3 =	vgt.f32 v21, v13;
	v37 =	vld [tilespmem:s28+$0x4030]  }
0x40: {  	v28 =	vsel vm0, v28, v11;
	v42 =	vsel vm2, s25, v18;
	v43 =	vsel vm0, s25, v19;
	v41 =	vld [tilespmem:s28+$0x4050]  }
0x41: {  	v36 =	vsel vm1, v7, v12;
	v21 =	vsel vm3, v21, v13;
	vm4 =	vgt.f32 v14, v15;
	v19 =	vld [tilespmem:s28+$0x4060]  }
0x42: {  	v44 =	vsel vm1, s25, v20;
	v8 =	vsel vm3, s25, v22;
	vm5 =	vgt.f32 v25, v16;
	v20 =	vld [tilespmem:s28+$0x4070]  }
0x43: {  	v38 =	vld [tilespmem:s28+$0x4040];
	v39 =	vsel vm4, v14, v15;
	v5 =	vsel vm4, s25, v23;
	vm6 =	vgt.f32 v26, v17  }
0x44: {  	s26 =	simm.s32 $0x80;
	v40 =	vsel vm5, v25, v16;
	v6 =	vsel vm5, s25, v24;
	v26 =	vsel vm6, v26, v17  }
0x45: {  	v27 =	vld [tilespmem:s26+$0x4000];
	v7 =	vsel vm6, s25, v29;
	vm0 =	vgt.f32 v30, v31;
	vm4 =	vgt.f32 v34, v32  }
0x46: {  	v9 =	vld [tilespmem:s26+$0x4010];
	vm5 =	vgt.f32 v35, v28;
	vm15 =	vgt.f32 v37, v36;
	vm2 =	vgt.f32 v41, v39  }
0x47: {  	v25 =	vld [tilespmem:s26+$0x4020];
	s25 =	simm.s32 $0x80;
	vm3 =	vgt.f32 v19, v40;
	vm1 =	vgt.f32 v20, v26;
	v10 =	vsel vm0, v30, v31  }
0x48: {  	v13 =	vld [tilespmem:s26+$0x4030];
	v11 =	vsel vm4, v34, v32;
	v12 =	vsel vm0, s25, v33;
	vm0 =	vgt.f32 v38, v21  }
0x49: {  	v17 =	vld [tilespmem:s26+$0x4050];
	v14 =	vsel vm5, v35, v28;
	v15 =	vsel vm15, v37, v36;
	v18 =	vsel vm2, v41, v39  }
0x4a: {  	v19 =	vsel vm3, v19, v40;
	v20 =	vsel vm1, v20, v26;
	v16 =	vsel vm0, v38, v21;
	v21 =	vld [tilespmem:s26+$0x4040]  }
0x4b: {  	s28 =	simm.s32 $0x400;
	v26 =	vld [tilespmem:s26+$0x4060];
	v22 =	vsel vm4, s25, v42;
	v23 =	vsel vm5, s25, v43;
	v24 =	vsel vm15, s25, v44  }
.LBB2_4:
0x4c: {  	p1 =	sne.s32 s28, $0xFE00;
	v28 =	vld [tilespmem:s26+$0x4070];
	s26 =	sshra.s32 s28, $0x2;
	v8 =	vsel vm0, s25, v8;
	v5 =	vsel vm2, s25, v5;
	v6 =	vsel vm3, s25, v6;
	v29 =	vmovc v25  }
0x4d: {  	vm0 =	vgt.f32 v27, v10;
	vm4 =	vgt.f32 v9, v11;
	v7 =	vsel vm1, s25, v7;
	s25 =	sadd.s32 $0x1, s25;
	v30 =	vld [tilespmem:s26+$0x4000]  }
0x4e: {  	v10 =	vsel vm0, v27, v10;
	v11 =	vsel vm4, v9, v11;
	v12 =	vsel vm0, s25, v12;
	v9 =	vld [tilespmem:s26+$0x4010]  }
.Ltmp3:
0x4f: {  	vm5 =	vgt.f32 v29, v14;
	vm6 =	vgt.f32 v13, v15;
	vm0 =	vgt.f32 v21, v16;
	v25 =	vld [tilespmem:s26+$0x4020];
	(pc) =	sbr.rel @p1 .LBB2_4-.Ltmp3, $4  }
0x50: {  	v14 =	vsel vm5, v29, v14;
	v15 =	vsel vm6, v13, v15;
	v16 =	vsel vm0, v21, v16;
	v13 =	vld [tilespmem:s26+$0x4030]  }
0x51: {  	vm2 =	vgt.f32 v17, v18;
	vm3 =	vgt.f32 v26, v19;
	v21 =	vld [tilespmem:s26+$0x4040];
	vm1 =	vgt.f32 v28, v20  }
0x52: {  	v18 =	vsel vm2, v17, v18;
	v19 =	vsel vm3, v26, v19;
	v17 =	vld [tilespmem:s26+$0x4050];
	v20 =	vsel vm1, v28, v20;
	v27 =	vmovc v30  }
0x53: {  	s28 =	sadd.s32 $0x200, s28;
	v22 =	vsel vm4, s25, v22;
	v23 =	vsel vm5, s25, v23;
	v24 =	vsel vm6, s25, v24;
	v26 =	vld [tilespmem:s26+$0x4060]  }
0x54: {  	v8 =	vsel vm0, s25, v8  }
0x55: {  	v5 =	vsel vm2, s25, v5;
	v6 =	vsel vm3, s25, v6;
	vm0 =	vgt.f32 v27, v10  }
0x56: {  	vm2 =	vgt.f32 v9, v11;
	v7 =	vsel vm1, s25, v7;
	s30 =	sadd.s32 $0x1, s25;
	v27 =	vsel vm0, v27, v10  }
0x57: {  	v29 =	vsel vm2, v9, v11;
	v9 =	vsel vm0, s30, v12;
	vm0 =	vgt.f32 v25, v14  }
0x58: {  	v28 =	vld [tilespmem:s26+$0x4070];
	vm1 =	vgt.f32 v13, v15;
	v10 =	vsel vm2, s30, v22;
	vm3 =	vgt.f32 v21, v16  }
0x59: {  	v12 =	vsel vm0, v25, v14;
	v13 =	vsel vm1, v13, v15;
	v11 =	vsel vm0, s30, v23  }
0x5a: {  	vm0 =	vgt.f32 v29, v27;
	v14 =	vsel vm3, v21, v16;
	vm4 =	vgt.f32 v17, v18  }
0x5b: {  	v8 =	vsel vm3, s30, v8;
	vm3 =	veq.f32 v13, v12;
	vm5 =	vgt.f32 v26, v19  }
0x5c: {  	v15 =	vsel vm4, v17, v18;
	v18 =	vsel vm1, s30, v24;
	vm1 =	veq.f32 v29, v27  }
0x5d: {  	vm6 =	vgt.f32 v28, v20;
	v16 =	vsel vm5, v26, v19;
	v19 =	vsel vm4, s30, v5  }
0x5e: {  	v6 =	vsel vm5, s30, v6;
	v5 =	vshll.u32 v9, $0x7;
	v9 =	vshll.u32 v10, $0x7  }
0x5f: {  	v10 =	vshll.u32 v11, $0x7;
	v11 =	vshll.u32 v8, $0x7;
	v8 =	vor.u32 $0x40, v0  }
0x60: {  	v17 =	vsel vm6, v28, v20;
	v20 =	vsel vm6, s30, v7;
	v21 =	vor.u32 v0, v5  }
0x61: {  	v5 =	vor.u32 $0x10, v0;
	v7 =	vor.u32 $0x20, v0;
	v24 =	vor.u32 v8, v11  }
0x62: {  	v19 =	vshll.u32 v19, $0x7;
	v6 =	vshll.u32 v6, $0x7;
	v11 =	vor.u32 $0x60, v0  }
0x63: {  	v22 =	vor.u32 v5, v9;
	v23 =	vor.u32 v7, v10;
	v10 =	vshll.u32 v18, $0x7  }
0x64: {  	v9 =	vor.u32 $0x30, v0;
	v25 =	vor.u32 v11, v6;
	v20 =	vshll.u32 v20, $0x7  }
0x65: {  	v6 =	vor.u32 $0x70, v0;
	v18 =	vor.u32 v9, v10;
	v10 =	vor.u32 $0x50, v0  }
0x66: {  	vm2 =	vlt.s32 v22, v21;
	v20 =	vor.u32 v6, v20;
	v19 =	vor.u32 v10, v19  }
0x67: {  	vm4 =	vlt.s32 v18, v23;
	vm1 =	vmand vm1, vm2;
	vm2 =	vgt.f32 v13, v12  }
0x68: {  	vm3 =	vmand vm3, vm4;
	vm0 =	vmor vm0, vm1;
	vm4 =	vlt.s32 v20, v25  }
0x69: {  	vm1 =	vmor vm2, vm3;
	v26 =	vsel vm0, v29, v27;
	v21 =	vsel vm0, v22, v21  }
0x6a: {  	vm0 =	vgt.f32 v15, v14;
	vm2 =	veq.f32 v15, v14;
	vm3 =	vlt.s32 v19, v24  }
0x6b: {  	v12 =	vsel vm1, v13, v12;
	vm2 =	vmand vm2, vm3;
	vm3 =	veq.f32 v17, v16  }
0x6c: {  	vm0 =	vmor vm0, vm2;
	vm2 =	vgt.f32 v17, v16;
	vm3 =	vmand vm3, vm4  }
0x6d: {  	v13 =	vsel vm1, v18, v23;
	v14 =	vsel vm0, v15, v14;
	vm1 =	vmor vm2, vm3  }
0x6e: {  	v15 =	vsel vm0, v19, v24;
	vm0 =	vgt.f32 v12, v26;
	vm2 =	vlt.s32 v13, v21  }
0x6f: {  	v16 =	vsel vm1, v17, v16;
	v17 =	vsel vm1, v20, v25;
	vm1 =	veq.f32 v12, v26  }
0x70: {  	vm1 =	vmand vm1, vm2;
	vm2 =	veq.f32 v16, v14;
	vm3 =	vlt.s32 v17, v15  }
0x71: {  	vm0 =	vmor vm0, vm1;
	vm1 =	vgt.f32 v16, v14;
	vm2 =	vmand vm2, vm3  }
0x72: {  	v12 =	vsel vm0, v12, v26;
	vm1 =	vmor vm1, vm2  }
0x73: {  	v13 =	vsel vm0, v13, v21;
	v14 =	vsel vm1, v16, v14;
	v15 =	vsel vm1, v17, v15  }
0x74: {  	vm0 =	veq.f32 v14, v12;
	vm1 =	vlt.s32 v15, v13  }
0x75: {  	vm2 =	vgt.f32 v14, v12;
	vm0 =	vmand vm0, vm1  }
0x76: {  	vm0 =	vmor vm2, vm0  }
0x77: {  	v12 =	vsel vm0, v14, v12;
	v13 =	vsel vm0, v15, v13  }
0x78: {  	v14 =	vperm.xlane v12, v1;
	v15 =	vperm.xlane v13, v1;
	_ =	sdelay $0x1  }
0x79: {  	vm0 =	veq.f32 v14, v12;
	vm1 =	vlt.s32 v15, v13  }
0x7a: {  	vm2 =	vgt.f32 v14, v12;
	vm0 =	vmand vm0, vm1  }
0x7b: {  	vm0 =	vmor vm2, vm0  }
0x7c: {  	v12 =	vsel vm0, v14, v12;
	v13 =	vsel vm0, v15, v13  }
0x7d: {  	v14 =	vperm.xlane v12, v2;
	v15 =	vperm.xlane v13, v2;
	_ =	sdelay $0x1  }
0x7e: {  	vm0 =	veq.f32 v14, v12;
	vm1 =	vlt.s32 v15, v13  }
0x7f: {  	vm2 =	vgt.f32 v14, v12;
	vm0 =	vmand vm0, vm1  }
0x80: {  	vm0 =	vmor vm2, vm0  }
0x81: {  	v12 =	vsel vm0, v14, v12;
	v13 =	vsel vm0, v15, v13  }
0x82: {  	v14 =	vperm.xlane v12, v3;
	v15 =	vperm.xlane v13, v3;
	_ =	sdelay $0x1  }
0x83: {  	vm0 =	veq.f32 v14, v12;
	vm1 =	vlt.s32 v15, v13  }
0x84: {  	vm2 =	vgt.f32 v14, v12;
	vm0 =	vmand vm0, vm1  }
0x85: {  	vm0 =	vmor vm2, vm0  }
0x86: {  	v12 =	vsel vm0, v14, v12;
	v13 =	vsel vm0, v15, v13  }
0x87: {  	v14 =	vperm.xlane v12, v4;
	v15 =	vperm.xlane v13, v4;
	_ =	sdelay $0x1  }
0x88: {  	vm0 =	veq.f32 v14, v12;
	vm1 =	vlt.s32 v15, v13  }
0x89: {  	vm2 =	vgt.f32 v14, v12;
	vm0 =	vmand vm0, vm1  }
0x8a: {  	vm0 =	vmor vm2, vm0  }
0x8b: {  	v12 =	vsel vm0, v15, v13  }
0x8c: {  	[tilespmem:$0x10000] =	vst v12  }
0x8d: {  	[spmem:s7] =	stream.linear.scatter [tilespmem:s18], [sflag:$0x5], $0x10, $0x38;
	[tilespmem:$0x10320] =	vst v63  }
0x8e: {  	_ =	swait.ge [sflag:s19], $0x10  }
0x8f: {  	[sflag:s19] =	ssyncset.done $0x0  }
0x90: {  	[sflag:s19] =	ssyncadd.s32 $0xFFFFFFF0  }
0x91: {  	_ =	swait.ge [sflag:s20], $0x4000  }
0x92: {  	[sflag:s20] =	ssyncset.done $0x0  }
0x93: {  	s31 =	simm.s32 $0x0;
	[sflag:s20] =	ssyncadd.s32 $0xFFFFC000  }
0x94: {  	v12 =	vld [tilespmem:s31+$0x8000]  }
0x95: {  	v13 =	vld [tilespmem:s31+$0x8010]  }
0x96: {  	v15 =	vld [tilespmem:s31+$0x8020]  }
0x97: {  	v16 =	vld [tilespmem:s31+$0x8030]  }
0x98: {  	v18 =	vld [tilespmem:s31+$0x8050]  }
0x99: {  	v19 =	vld [tilespmem:s31+$0x8060]  }
0x9a: {  	v21 =	vld [tilespmem:s31+$0x8070]  }
0x9b: {  	v33 =	vimm.s32 $0x0;
	v17 =	vld [tilespmem:s31+$0x8040]  }
0x9c: {  	s26 =	simm.s32 $0x80;
	v34 =	vimm.s32 $0x0;
	v32 =	vimm.s32 $0x0;
	v20 =	vimm.f32 $-Inf  }
0x9d: {  	v26 =	vimm.s32 $0x0;
	v31 =	vld [tilespmem:s26+$0x8000];
	vm0 =	vgt.f32 v12, v20;
	vm4 =	vgt.f32 v13, v20  }
0x9e: {  	v24 =	vld [tilespmem:s26+$0x8010];
	vm5 =	vgt.f32 v15, v20;
	vm15 =	vgt.f32 v16, v20;
	vm2 =	vgt.f32 v18, v20  }
0x9f: {  	s25 =	simm.s32 $0x0;
	v30 =	vld [tilespmem:s26+$0x8020];
	vm3 =	vgt.f32 v19, v20;
	vm1 =	vgt.f32 v21, v20;
	v12 =	vsel vm0, v12, v20  }
0xa0: {  	v25 =	vld [tilespmem:s26+$0x8030];
	v13 =	vsel vm4, v13, v20;
	v14 =	vsel vm0, s25, v26;
	vm0 =	vgt.f32 v17, v20  }
0xa1: {  	v28 =	vld [tilespmem:s26+$0x8040];
	v15 =	vsel vm5, v15, v20;
	v16 =	vsel vm15, v16, v20;
	v18 =	vsel vm2, v18, v20  }
0xa2: {  	v27 =	vld [tilespmem:s26+$0x8050];
	v19 =	vsel vm3, v19, v20;
	v22 =	vsel vm5, s25, v26;
	v23 =	vsel vm15, s25, v26  }
0xa3: {  	s28 =	simm.s32 $0x400;
	v29 =	vld [tilespmem:s26+$0x8060];
	v17 =	vsel vm0, v17, v20;
	v20 =	vsel vm1, v21, v20;
	v21 =	vsel vm4, s25, v26  }
.LBB2_6:
0xa4: {  	p1 =	sne.s32 s28, $0xFE00;
	v35 =	vld [tilespmem:s26+$0x8070];
	s26 =	sshra.s32 s28, $0x2;
	v26 =	vsel vm0, s25, v26;
	v33 =	vsel vm2, s25, v33;
	v34 =	vsel vm3, s25, v34;
	v36 =	vmovc v30  }
0xa5: {  	vm0 =	vgt.f32 v31, v12;
	vm4 =	vgt.f32 v24, v13;
	v32 =	vsel vm1, s25, v32;
	s25 =	sadd.s32 $0x1, s25;
	v37 =	vld [tilespmem:s26+$0x8000]  }
0xa6: {  	v12 =	vsel vm0, v31, v12;
	v13 =	vsel vm4, v24, v13;
	v14 =	vsel vm0, s25, v14;
	v24 =	vld [tilespmem:s26+$0x8010]  }
.Ltmp4:
0xa7: {  	vm5 =	vgt.f32 v36, v15;
	vm6 =	vgt.f32 v25, v16;
	vm0 =	vgt.f32 v28, v17;
	v30 =	vld [tilespmem:s26+$0x8020];
	(pc) =	sbr.rel @p1 .LBB2_6-.Ltmp4, $4  }
0xa8: {  	v15 =	vsel vm5, v36, v15;
	v16 =	vsel vm6, v25, v16;
	v17 =	vsel vm0, v28, v17;
	v25 =	vld [tilespmem:s26+$0x8030]  }
0xa9: {  	vm2 =	vgt.f32 v27, v18;
	vm3 =	vgt.f32 v29, v19;
	v28 =	vld [tilespmem:s26+$0x8040];
	vm1 =	vgt.f32 v35, v20  }
0xaa: {  	v18 =	vsel vm2, v27, v18;
	v19 =	vsel vm3, v29, v19;
	v27 =	vld [tilespmem:s26+$0x8050];
	v20 =	vsel vm1, v35, v20;
	v31 =	vmovc v37  }
0xab: {  	s28 =	sadd.s32 $0x200, s28;
	v21 =	vsel vm4, s25, v21;
	v22 =	vsel vm5, s25, v22;
	v23 =	vsel vm6, s25, v23;
	v29 =	vld [tilespmem:s26+$0x8060]  }
0xac: {  	v35 =	vld [tilespmem:s26+$0x8070];
	_ =	swait.ge [sflag:s21], $0x4000  }
0xad: {  	[sflag:s21] =	ssyncset.done $0x0  }
0xae: {  	s28 =	simm.s32 $0x0;
	[sflag:s21] =	ssyncadd.s32 $0xFFFFC000  }
0xaf: {  	v26 =	vsel vm0, s25, v26;
	v33 =	vsel vm2, s25, v33;
	v34 =	vsel vm3, s25, v34;
	v36 =	vld [tilespmem:s28+$0xC000]  }
0xb0: {  	vm0 =	vgt.f32 v31, v12;
	vm2 =	vgt.f32 v24, v13;
	v32 =	vsel vm1, s25, v32;
	s31 =	sadd.s32 $0x1, s25;
	v38 =	vld [tilespmem:s28+$0xC010]  }
0xb1: {  	v31 =	vsel vm0, v31, v12;
	v24 =	vsel vm2, v24, v13;
	v37 =	vsel vm0, s31, v14;
	v39 =	vld [tilespmem:s28+$0xC020]  }
0xb2: {  	vm0 =	vgt.f32 v30, v15;
	vm1 =	vgt.f32 v25, v16;
	v43 =	vsel vm2, s31, v21;
	v40 =	vld [tilespmem:s28+$0xC030]  }
0xb3: {  	vm3 =	vgt.f32 v28, v17;
	v30 =	vsel vm0, v30, v15;
	v25 =	vsel vm1, v25, v16;
	v42 =	vld [tilespmem:s28+$0xC050]  }
0xb4: {  	v44 =	vsel vm0, s31, v22;
	v45 =	vsel vm1, s31, v23;
	v28 =	vsel vm3, v28, v17;
	v46 =	vld [tilespmem:s28+$0xC060]  }
0xb5: {  	vm4 =	vgt.f32 v27, v18;
	v12 =	vsel vm3, s31, v26;
	v63 =	vld [tilespmem:s28+$0xC070];
	vm5 =	vgt.f32 v29, v19  }
0xb6: {  	v41 =	vld [tilespmem:s28+$0xC040];
	v27 =	vsel vm4, v27, v18;
	v13 =	vsel vm4, s31, v33;
	vm6 =	vgt.f32 v35, v20  }
0xb7: {  	s26 =	simm.s32 $0x80;
	v29 =	vsel vm5, v29, v19;
	v14 =	vsel vm5, s31, v34;
	v35 =	vsel vm6, v35, v20  }
0xb8: {  	v16 =	vld [tilespmem:s26+$0xC010];
	v15 =	vsel vm6, s31, v32;
	vm0 =	vgt.f32 v36, v31;
	vm4 =	vgt.f32 v38, v24  }
0xb9: {  	v33 =	vld [tilespmem:s26+$0xC060];
	vm5 =	vgt.f32 v39, v30;
	vm15 =	vgt.f32 v40, v25;
	vm2 =	vgt.f32 v42, v27  }
0xba: {  	s25 =	simm.s32 $0x80;
	v32 =	vld [tilespmem:s26+$0xC020];
	vm3 =	vgt.f32 v46, v29;
	vm1 =	vgt.f32 v63, v35;
	v17 =	vsel vm0, v36, v31  }
0xbb: {  	v34 =	vld [tilespmem:s26+$0xC000];
	v18 =	vsel vm4, v38, v24;
	v19 =	vsel vm0, s25, v37;
	vm0 =	vgt.f32 v41, v28  }
0xbc: {  	v20 =	vld [tilespmem:s26+$0xC030];
	v21 =	vsel vm5, v39, v30;
	v22 =	vsel vm15, v40, v25;
	v25 =	vsel vm2, v42, v27  }
0xbd: {  	v26 =	vsel vm3, v46, v29;
	v27 =	vsel vm1, v63, v35;
	v23 =	vsel vm0, v41, v28;
	v28 =	vld [tilespmem:s26+$0xC040]  }
0xbe: {  	s28 =	simm.s32 $0x400;
	v24 =	vld [tilespmem:s26+$0xC050];
	v29 =	vsel vm4, s25, v43;
	v30 =	vsel vm5, s25, v44;
	v31 =	vsel vm15, s25, v45  }
.LBB2_8:
0xbf: {  	p1 =	sne.s32 s28, $0xFE00;
	v35 =	vld [tilespmem:s26+$0xC070];
	s26 =	sshra.s32 s28, $0x2;
	v12 =	vsel vm0, s25, v12;
	v13 =	vsel vm2, s25, v13;
	v14 =	vsel vm3, s25, v14;
	v36 =	vmovc v32  }
0xc0: {  	vm0 =	vgt.f32 v34, v17;
	vm4 =	vgt.f32 v16, v18;
	v15 =	vsel vm1, s25, v15;
	s25 =	sadd.s32 $0x1, s25;
	v37 =	vld [tilespmem:s26+$0xC000]  }
0xc1: {  	v17 =	vsel vm0, v34, v17;
	v18 =	vsel vm4, v16, v18;
	v19 =	vsel vm0, s25, v19;
	v16 =	vld [tilespmem:s26+$0xC010]  }
.Ltmp5:
0xc2: {  	vm5 =	vgt.f32 v36, v21;
	vm6 =	vgt.f32 v20, v22;
	vm0 =	vgt.f32 v28, v23;
	v32 =	vld [tilespmem:s26+$0xC020];
	(pc) =	sbr.rel @p1 .LBB2_8-.Ltmp5, $4  }
0xc3: {  	v21 =	vsel vm5, v36, v21;
	v22 =	vsel vm6, v20, v22;
	v23 =	vsel vm0, v28, v23;
	v20 =	vld [tilespmem:s26+$0xC030]  }
0xc4: {  	vm2 =	vgt.f32 v24, v25;
	vm3 =	vgt.f32 v33, v26;
	v28 =	vld [tilespmem:s26+$0xC040];
	vm1 =	vgt.f32 v35, v27  }
0xc5: {  	v25 =	vsel vm2, v24, v25;
	v26 =	vsel vm3, v33, v26;
	v24 =	vld [tilespmem:s26+$0xC050];
	v27 =	vsel vm1, v35, v27;
	v34 =	vmovc v37  }
0xc6: {  	s28 =	sadd.s32 $0x200, s28;
	v29 =	vsel vm4, s25, v29;
	v30 =	vsel vm5, s25, v30;
	v31 =	vsel vm6, s25, v31;
	v33 =	vld [tilespmem:s26+$0xC060]  }
0xc7: {  	v12 =	vsel vm0, s25, v12;
	v13 =	vsel vm2, s25, v13;
	v14 =	vsel vm3, s25, v14  }
0xc8: {  	vm14 =	vgt.f32 v34, v17;
	vm15 =	vgt.f32 v16, v18;
	v15 =	vsel vm1, s25, v15  }
0xc9: {  	s31 =	sadd.s32 $0x1, s25;
	vm9 =	vgt.f32 v32, v21;
	v17 =	vsel vm14, v34, v17;
	v16 =	vsel vm15, v16, v18  }
0xca: {  	v48 =	vsel vm14, s31, v19;
	vm10 =	vgt.f32 v20, v22;
	v49 =	vsel vm9, v32, v21  }
0xcb: {  	v54 =	vsel vm15, s31, v29;
	v55 =	vsel vm9, s31, v30;
	vm11 =	vgt.f32 v28, v23  }
0xcc: {  	v35 =	vld [tilespmem:s26+$0xC070];
	v20 =	vsel vm10, v20, v22;
	v56 =	vsel vm10, s31, v31;
	v18 =	vshll.u32 v48, $0x7  }
0xcd: {  	vm12 =	vgt.f32 v16, v17;
	vm13 =	veq.f32 v16, v17;
	v50 =	vsel vm11, v28, v23  }
0xce: {  	vm4 =	vgt.f32 v24, v25;
	v12 =	vsel vm11, s31, v12;
	v18 =	vor.u32 v0, v18  }
0xcf: {  	vm15 =	veq.f32 v20, v49;
	vm9 =	vgt.f32 v20, v49;
	vm5 =	vgt.f32 v33, v26  }
0xd0: {  	v51 =	vsel vm4, v24, v25;
	v13 =	vsel vm4, s31, v13;
	v25 =	vshll.u32 v54, $0x7  }
0xd1: {  	v12 =	vshll.u32 v12, $0x7;
	vm6 =	vgt.f32 v35, v27;
	v52 =	vsel vm5, v33, v26  }
0xd2: {  	v14 =	vsel vm5, s31, v14;
	v26 =	vshll.u32 v55, $0x7;
	v5 =	vor.u32 v5, v25  }
0xd3: {  	v13 =	vshll.u32 v13, $0x7;
	v8 =	vor.u32 v8, v12;
	vm11 =	vgt.f32 v51, v50  }
0xd4: {  	v53 =	vsel vm6, v35, v27;
	v15 =	vsel vm6, s31, v15;
	v27 =	vshll.u32 v56, $0x7  }
0xd5: {  	v7 =	vor.u32 v7, v26;
	v14 =	vshll.u32 v14, $0x7;
	v10 =	vor.u32 v10, v13  }
0xd6: {  	vm14 =	vlt.s32 v5, v18;
	v9 =	vor.u32 v9, v27;
	v11 =	vor.u32 v11, v14  }
0xd7: {  	v57 =	vshll.u32 v15, $0x7;
	vm1 =	vmand vm13, vm14;
	vm13 =	vlt.s32 v10, v8  }
0xd8: {  	vm14 =	veq.f32 v53, v52;
	vm6 =	vgt.f32 v53, v52;
	vm8 =	vlt.s32 v9, v7  }
0xd9: {  	v6 =	vor.u32 v6, v57;
	vm0 =	vmor vm12, vm1;
	vm12 =	veq.f32 v51, v50  }
0xda: {  	vm3 =	vmand vm15, vm8;
	v58 =	vsel vm0, v16, v17;
	v5 =	vsel vm0, v5, v18  }
0xdb: {  	vm2 =	vmand vm12, vm13;
	vm15 =	vlt.s32 v6, v11;
	vm10 =	vmor vm9, vm3  }
0xdc: {  	vm0 =	vmor vm11, vm2;
	vm3 =	vmand vm14, vm15;
	v59 =	vsel vm10, v20, v49  }
0xdd: {  	v7 =	vsel vm10, v9, v7;
	v60 =	vsel vm0, v51, v50;
	vm7 =	vmor vm6, vm3  }
0xde: {  	v8 =	vsel vm0, v10, v8;
	v61 =	vsel vm7, v53, v52;
	v6 =	vsel vm7, v6, v11  }
0xdf: {  	vm8 =	vgt.f32 v59, v58;
	vm9 =	veq.f32 v59, v58;
	vm10 =	vlt.s32 v7, v5  }
0xe0: {  	vm1 =	vmand vm9, vm10;
	vm11 =	veq.f32 v61, v60;
	vm12 =	vlt.s32 v6, v8  }
0xe1: {  	vm13 =	vgt.f32 v61, v60;
	vm0 =	vmor vm8, vm1;
	vm2 =	vmand vm11, vm12  }
0xe2: {  	v62 =	vsel vm0, v59, v58;
	vm1 =	vmor vm13, vm2  }
0xe3: {  	v5 =	vsel vm0, v7, v5;
	v7 =	vsel vm1, v61, v60;
	v6 =	vsel vm1, v6, v8  }
0xe4: {  	vm14 =	veq.f32 v7, v62;
	vm1 =	vlt.s32 v6, v5  }
0xe5: {  	vm15 =	vgt.f32 v7, v62;
	vm0 =	vmand vm14, vm1  }
0xe6: {  	vm0 =	vmor vm15, vm0  }
0xe7: {  	v7 =	vsel vm0, v7, v62;
	v5 =	vsel vm0, v6, v5  }
0xe8: {  	v6 =	vperm.xlane v7, v1;
	v63 =	vperm.xlane v5, v1;
	_ =	sdelay $0x1  }
0xe9: {  	vm4 =	veq.f32 v6, v7;
	vm5 =	vlt.s32 v63, v5  }
0xea: {  	vm6 =	vgt.f32 v6, v7;
	vm0 =	vmand vm4, vm5  }
0xeb: {  	vm0 =	vmor vm6, vm0  }
0xec: {  	v6 =	vsel vm0, v6, v7;
	v5 =	vsel vm0, v63, v5  }
0xed: {  	v7 =	vperm.xlane v6, v2;
	v8 =	vperm.xlane v5, v2;
	_ =	sdelay $0x1  }
0xee: {  	vm7 =	veq.f32 v7, v6;
	vm8 =	vlt.s32 v8, v5  }
0xef: {  	vm9 =	vgt.f32 v7, v6;
	vm0 =	vmand vm7, vm8  }
0xf0: {  	vm0 =	vmor vm9, vm0  }
0xf1: {  	v6 =	vsel vm0, v7, v6;
	v5 =	vsel vm0, v8, v5  }
0xf2: {  	v7 =	vperm.xlane v6, v3;
	v8 =	vperm.xlane v5, v3;
	_ =	sdelay $0x1  }
0xf3: {  	vm10 =	veq.f32 v7, v6;
	vm11 =	vlt.s32 v8, v5  }
0xf4: {  	vm12 =	vgt.f32 v7, v6;
	vm0 =	vmand vm10, vm11  }
0xf5: {  	vm0 =	vmor vm12, vm0  }
0xf6: {  	v6 =	vsel vm0, v7, v6;
	v5 =	vsel vm0, v8, v5  }
0xf7: {  	v7 =	vperm.xlane v6, v4;
	v8 =	vperm.xlane v5, v4;
	_ =	sdelay $0x1  }
0xf8: {  	vm13 =	veq.f32 v7, v6;
	vm14 =	vlt.s32 v8, v5  }
0xf9: {  	vm15 =	vgt.f32 v7, v6;
	vm0 =	vmand vm13, vm14  }
0xfa: {  	vm0 =	vmor vm15, vm0  }
0xfb: {  	v5 =	vsel vm0, v8, v5  }
0xfc: {  	[tilespmem:$0x10000] =	vst v5  }
0xfd: {  	[spmem:s8] =	stream.linear.scatter [tilespmem:s18], [sflag:$0x5], $0x10, $0x38;
	[tilespmem:$0x10320] =	vst v63  }
.Ltmp6:
0xfe: {  	_ =	swait.ge [sflag:s19], $0x10;
	(pc) =	sbr.rel @p0 .LBB2_11-.Ltmp6, $3  }
0xff: {  	[sflag:s19] =	ssyncset.done $0x0  }
0x100: {  	[sflag:s19] =	ssyncadd.s32 $0xFFFFFFF0  }
0x101: {  	[bflag:$0x0] =	sbarrier.arrive $0xFFFF;
	_ =	sdelay $0x1  }
0x102: {  	[tilespmem:s22], [sflag:$0x5] =	stream.linear.gather [spmem:s1], $0x200, $0x38;
	[tilespmem:$0x10320] =	vst v63  }
0x103: {  	_ =	swait.ge [sflag:s19], $0x200  }
0x104: {  	[sflag:s19] =	ssyncset.done $0x0  }
0x105: {  	[sflag:s19] =	ssyncadd.s32 $0xFFFFFE00  }
0x106: {  	v5 =	vld [tilespmem:$0x10080]  }
0x107: {  	v6 =	vld [tilespmem:$0x10090]  }
0x108: {  	v7 =	vld [tilespmem:$0x100A0]  }
0x109: {  	v8 =	vld [tilespmem:$0x100B0]  }
0x10a: {  	v9 =	vld [tilespmem:$0x100C0]  }
0x10b: {  	v10 =	vld [tilespmem:$0x100D0]  }
0x10c: {  	v11 =	vld [tilespmem:$0x100E0]  }
0x10d: {  	v12 =	vld [tilespmem:$0x100F0]  }
0x10e: {  	v13 =	vld [tilespmem:$0x10100]  }
0x10f: {  	v14 =	vld [tilespmem:$0x10110]  }
0x110: {  	v15 =	vld [tilespmem:$0x10120]  }
0x111: {  	v16 =	vld [tilespmem:$0x10130]  }
0x112: {  	v17 =	vld [tilespmem:$0x10140]  }
0x113: {  	v18 =	vld [tilespmem:$0x10150]  }
0x114: {  	v19 =	vld [tilespmem:$0x10160]  }
0x115: {  	v20 =	vld [tilespmem:$0x10170]  }
0x116: {  	v21 =	vld [tilespmem:$0x10180]  }
0x117: {  	v22 =	vld [tilespmem:$0x10190]  }
0x118: {  	v23 =	vld [tilespmem:$0x101A0]  }
0x119: {  	v24 =	vld [tilespmem:$0x101B0]  }
0x11a: {  	vm0 =	vmmov $0x1;
	v25 =	vld [tilespmem:$0x101C0]  }
0x11b: {  	vm1 =	vmmov $0x3;
	v5 =	vsel vm0, v5, v6;
	v6 =	vld [tilespmem:$0x101D0]  }
0x11c: {  	vm4 =	vmmov $0x7;
	v56 =	vld [tilespmem:$0x101E0];
	v5 =	vsel vm1, v5, v7;
	v7 =	vsel vm0, v21, v22  }
0x11d: {  	vm5 =	vmmov $0xf;
	v57 =	vld [tilespmem:$0x101F0];
	v5 =	vsel vm4, v5, v8;
	v7 =	vsel vm1, v7, v23  }
0x11e: {  	vm6 =	vmmov $0x1f;
	v58 =	vld [tilespmem:$0x10200];
	v5 =	vsel vm5, v5, v9;
	v7 =	vsel vm4, v7, v24  }
0x11f: {  	vm7 =	vmmov $0x3f;
	v59 =	vld [tilespmem:$0x10210];
	v5 =	vsel vm6, v5, v10;
	v7 =	vsel vm5, v7, v25  }
0x120: {  	vm8 =	vmmov $0x7f;
	v5 =	vsel vm7, v5, v11;
	v6 =	vsel vm6, v7, v6;
	v7 =	vld [tilespmem:$0x10220]  }
0x121: {  	vm9 =	vmmov $0xff;
	v60 =	vld [tilespmem:$0x10230];
	v5 =	vsel vm8, v5, v12;
	v6 =	vsel vm7, v6, v56  }
0x122: {  	vm2 =	vmmov $0x1ff;
	v61 =	vld [tilespmem:$0x10240];
	v5 =	vsel vm9, v5, v13;
	v6 =	vsel vm8, v6, v57  }
0x123: {  	vm10 =	vmmov $0x3ff;
	v62 =	vld [tilespmem:$0x10250];
	v5 =	vsel vm2, v5, v14;
	v6 =	vsel vm9, v6, v58  }
0x124: {  	vm11 =	vmmov $0x7ff;
	v63 =	vld [tilespmem:$0x10260];
	v5 =	vsel vm10, v5, v15;
	v6 =	vsel vm2, v6, v59  }
0x125: {  	vm12 =	vmmov $0xfff;
	v5 =	vsel vm11, v5, v16;
	v6 =	vsel vm10, v6, v7;
	v7 =	vld [tilespmem:$0x10270]  }
0x126: {  	vm13 =	vmmov $0x1fff;
	v5 =	vsel vm12, v5, v17;
	v6 =	vsel vm11, v6, v60  }
0x127: {  	vm14 =	vmmov $0x3fff;
	v5 =	vsel vm13, v5, v18;
	v6 =	vsel vm12, v6, v61  }
0x128: {  	vm15 =	vmmov $0x7fff;
	v5 =	vsel vm14, v5, v19;
	v6 =	vsel vm13, v6, v62  }
0x129: {  	v5 =	vsel vm15, v5, v20;
	v6 =	vsel vm14, v6, v63  }
0x12a: {  	[tilespmem:$0x10280] =	vst v5;
	v5 =	vsel vm15, v6, v7  }
.Ltmp7:
0x12b: {  	[tilespmem:$0x10290] =	vst v5;
	(pc) =	sbr.rel .LBB2_11-.Ltmp7, $4  }
0x12c: {  	[hbm4b:s9+s2] =	stream.linear.scatter [tilespmem:s23], [sflag:$0x5], $0x20, $0x38;
	[tilespmem:$0x10320] =	vst v63  }
0x12d: {  	_ =	swait.ge [sflag:s19], $0x20  }
0x12e: {  	[sflag:s19] =	ssyncset.done $0x0  }
0x12f: {  	[sflag:s19] =	ssyncadd.s32 $0xFFFFFFE0  }
.LBB2_12:
0x130: {  	_ =	sfence.sel $0x180000  }
0x131: {  	[bflag:$0x0] =	sbarrier.arrive $0xFFFF  }
0x132: {  	_ =	strace $0x90000047  }
0x133: {  	s0 =	sadd.s32 @!p0 $0x100000, s0;
	[bflag:$0x2] =	sbarrier.arrive $0xFFFF  }
0x134: {  	[sflag:s0] =	ssyncadd.tile.s32 @!p0 $0x1;
	_ =	shalt  }
.Lfunc_end2:
_tile_overlayer_lowered:
.L_overlay_start_2:
0x135: {  	(tag) =	ssettag $0x2  }
0x136: {  	s0 =	rddreg [dreg:$0x0];
	s2 =	stileid.u32  }
0x137: {  	s1 =	rddreg [dreg:$0x1];
	p0 =	sne.s32 s2, $0x0  }
0x138: {  	s3 =	rddreg [dreg:$0x2];
	[bflag:$0x3] =	sbarrier.arrive $0xFFFF;
	s2 =	simm.s32 @!p0 $0x1C05  }
0x139: {  	[timem:s3], [sflag:s2] =	dma.local @!p0 [hbm:s0], s1  }
0x13a: {  	s0 =	simm.s32 @!p0 $0x5  }
0x13b: {  	_ =	swait.ge @!p0 [sflag:s0], s1  }
0x13c: {  	s1 =	ssub.s32 @!p0 $0x0, s1;
	[sflag:s0] =	ssyncset.done @!p0 $0x0  }
0x13d: {  	[sflag:s0] =	ssyncadd.s32 @!p0 s1  }
0x13e: {  	[bflag:$0x3] =	sbarrier.arrive $0xFFFF  }
0x13f: {  	_ =	shalt  }

</sc_bundles>
